<compile_context>
chip_gen: v7x
topology: tpu7x:2x2x1
jax: 0.10.2.dev20260603
libtpu: 0.0.44.dev20260713+nightly
codegen_flags: <defaults>
</compile_context>

<pallas_src>
import functools

import jax
import jax.numpy as jnp
from jax import lax
from jax.experimental import pallas as pl
from jax.experimental.pallas import tpu as pltpu
from jax.experimental.pallas import tpu_sc as plsc

_B, _S, _H, _V = 32, 512, 768, 30522
_EPS = 1e-12
_NC = 2
_NW = 32
_K = 2
_BK = _B // _K
_R = _BK * _S
_RPW = _R // _NW
_CH = 64
_NCH = _RPW // _CH



def _gather_phase(ids_hbm, word_hbm, inter_hbm, ids_v, w0, w1,
                  sg0, sg1, ss0, ss1):
    cid = lax.axis_index("c")
    sid = lax.axis_index("s")
    wid = sid * _NC + cid
    r0 = wid * _RPW

    pltpu.sync_copy(ids_hbm.at[pl.ds(r0, _RPW)], ids_v)

    def gather(c, buf, sem):
        return pltpu.make_async_copy(
            word_hbm.at[ids_v.at[pl.ds(c * _CH, _CH)]], buf, sem)

    def store(c, buf, sem):
        return pltpu.make_async_copy(
            buf, inter_hbm.at[pl.ds(r0 + c * _CH, _CH)], sem)

    gather(0, w0, sg0).start()
    gather(1, w1, sg1).start()

    def step(s, _):
        c0 = 2 * s
        c1 = c0 + 1
        gather(c0, w0, sg0).wait()
        store(c0, w0, ss0).start()
        gather(c1, w1, sg1).wait()
        store(c1, w1, ss1).start()
        store(c0, w0, ss0).wait()

        @pl.when(c0 + 2 < _NCH)
        def _():
            gather(c0 + 2, w0, sg0).start()

        store(c1, w1, ss1).wait()

        @pl.when(c1 + 2 < _NCH)
        def _():
            gather(c1 + 2, w1, sg1).start()

        return 0

    lax.fori_loop(0, _NCH // 2, step, 0)


@functools.partial(
    pl.kernel,
    out_type=jax.ShapeDtypeStruct((_R, _H), jnp.float32),
    mesh=plsc.VectorSubcoreMesh(core_axis_name="c", subcore_axis_name="s"),
    scratch_types=[
        pltpu.VMEM((_RPW,), jnp.int32),
        pltpu.VMEM((_CH, _H), jnp.float32),
        pltpu.VMEM((_CH, _H), jnp.float32),
        pltpu.SemaphoreType.DMA,
        pltpu.SemaphoreType.DMA,
        pltpu.SemaphoreType.DMA,
        pltpu.SemaphoreType.DMA,
    ],
)
def _sc_gather(ids_hbm, word_hbm, inter_hbm, *scratch):
    _gather_phase(ids_hbm, word_hbm, inter_hbm, *scratch)



_BR = 2048


def _ln_body(inter_ref, tt_ref, vv_ref, pos_ref, table_ref,
             gamma_ref, beta_ref, o_ref):
    tt = tt_ref[...]
    vv = vv_ref[...]
    iota8 = lax.broadcasted_iota(jnp.int32, (_BR, 8), 1)
    onehot = ((iota8 == tt[:, None]) | (iota8 == vv[:, None] + 2))
    combo = jnp.dot(onehot.astype(jnp.float32), table_ref[...],
                    preferred_element_type=jnp.float32)
    pos = pos_ref[...]
    x = inter_ref[...] + combo
    x = (x.reshape(_BR // _S, _S, _H) + pos[None]).reshape(_BR, _H)
    mean = jnp.mean(x, axis=-1, keepdims=True)
    xc = x - mean
    var = jnp.mean(xc * xc, axis=-1, keepdims=True)
    o_ref[...] = (xc * lax.rsqrt(var + _EPS)) * gamma_ref[...] + beta_ref[...]


def _ln_first(inter_ref, tt_ref, vv_ref, pos_ref, table_ref,
              gamma_ref, beta_ref, o_ref):
    _ln_body(inter_ref, tt_ref, vv_ref, pos_ref, table_ref,
             gamma_ref, beta_ref, o_ref)


def _ln_chained(buf_ref, inter_ref, tt_ref, vv_ref, pos_ref, table_ref,
                gamma_ref, beta_ref, o_ref):
    del buf_ref
    _ln_body(inter_ref, tt_ref, vv_ref, pos_ref, table_ref,
             gamma_ref, beta_ref, o_ref)


_data_specs = [
    pl.BlockSpec((_BR, _H), lambda i: (i, 0)),
    pl.BlockSpec((_BR,), lambda i: (i,)),
    pl.BlockSpec((_BR,), lambda i: (i,)),
    pl.BlockSpec((_S, _H), lambda i: (0, 0)),
    pl.BlockSpec((8, _H), lambda i: (0, 0)),
    pl.BlockSpec((1, _H), lambda i: (0, 0)),
    pl.BlockSpec((1, _H), lambda i: (0, 0)),
]

_out_shape = jax.ShapeDtypeStruct((_B * _S, _H), jnp.float32)
_GB = _R // _BR


def _make_ln_call(k):
    out_spec = pl.BlockSpec((_BR, _H), lambda i, k=k: (i + k * _GB, 0))
    if k == 0:
        return pl.pallas_call(
            _ln_first, grid=(_GB,), in_specs=_data_specs,
            out_specs=out_spec, out_shape=_out_shape)
    return pl.pallas_call(
        _ln_chained, grid=(_GB,),
        in_specs=[pl.BlockSpec(memory_space=pl.ANY)] + _data_specs,
        out_specs=out_spec, out_shape=_out_shape,
        input_output_aliases={0: 0})


_ln_calls = [_make_ln_call(k) for k in range(_K)]


def kernel(input_ids, token_type_ids, variant_ids, word_emb, pos_emb,
           type_emb, variant_emb, gamma, beta):
    ids = input_ids.astype(jnp.int32).reshape(-1)
    tt = token_type_ids.astype(jnp.int32).reshape(-1)
    vv = variant_ids.astype(jnp.int32).reshape(-1)
    table = jnp.concatenate([type_emb, variant_emb], axis=0)
    g = gamma.reshape(1, _H)
    b = beta.reshape(1, _H)

    inters = [_sc_gather(ids[k * _R:(k + 1) * _R], word_emb)
              for k in range(_K)]

    buf = None
    for k in range(_K):
        args = (inters[k], tt[k * _R:(k + 1) * _R], vv[k * _R:(k + 1) * _R],
                pos_emb, table, g, b)
        buf = _ln_calls[k](*args) if k == 0 else _ln_calls[k](buf, *args)
    return buf.reshape(_B, _S, _H)

# --- scband reference (transcript-rebuilt; emitter-appended) ---
"""Pipeline reference for scband-bert-embeddings-12128987644222 (READ-ONLY COPY).

The authoritative reference and input builder live on the scoring server;
editing this copy changes nothing except your own understanding.
"""

import jax, jax.numpy as jnp
import numpy as np

B, S, H, V = 32, 512, 768, 30522
MAX_POS, N_TYPES, N_VARIANTS = 512, 2, 6
EPS = 1e-12


def setup_inputs(seed: int = 0) -> dict:
    key = jax.random.key(seed)
    ks = jax.random.split(key, 7)
    input_ids = jax.random.randint(ks[0], (B, S), 0, V, dtype=jnp.int64 if jax.config.jax_enable_x64 else jnp.int32)
    token_type_ids = jax.random.randint(ks[1], (B, S), 0, N_TYPES)
    variant_ids = jax.random.randint(ks[2], (B, S), 0, N_VARIANTS)
    word_emb = jax.random.normal(ks[3], (V, H), dtype=jnp.float32) * 0.02
    pos_emb = jax.random.normal(ks[4], (MAX_POS, H), dtype=jnp.float32) * 0.02
    type_emb = jax.random.normal(ks[5], (N_TYPES, H), dtype=jnp.float32) * 0.02
    variant_emb = jax.random.normal(ks[6], (N_VARIANTS, H), dtype=jnp.float32) * 0.02
    gamma = jnp.ones((H,), dtype=jnp.float32)
    beta = jnp.zeros((H,), dtype=jnp.float32)
    return {
        "input_ids": input_ids,
        "token_type_ids": token_type_ids,
        "variant_ids": variant_ids,
        "word_emb": word_emb,
        "pos_emb": pos_emb,
        "type_emb": type_emb,
        "variant_emb": variant_emb,
        "gamma": gamma,
        "beta": beta,
    }


def reference(input_ids, token_type_ids, variant_ids, word_emb, pos_emb, type_emb, variant_emb, gamma, beta):
    seq_length = input_ids.shape[1]
    position_ids = jnp.arange(seq_length, dtype=jnp.int32)[None, :]
    inputs_embeds = jnp.take(word_emb, input_ids, axis=0)
    position_embeddings = jnp.take(pos_emb, position_ids, axis=0)
    token_type_embeddings = jnp.take(type_emb, token_type_ids, axis=0)
    variant_embeddings = jnp.take(variant_emb, variant_ids, axis=0)
    embeddings = inputs_embeds + position_embeddings + token_type_embeddings + variant_embeddings
    mean = jnp.mean(embeddings, axis=-1, keepdims=True)
    var = jnp.var(embeddings, axis=-1, keepdims=True)
    normed = (embeddings - mean) / jnp.sqrt(var + EPS)
    out = normed * gamma + beta
    # dropout is identity in eval mode
    return out

if __name__ == "__main__":
    import jax
    _d = setup_inputs()
    print(jax.jit(kernel)(*tuple(_d.values())))

</pallas_src>

<mosaic_0001>
#map = affine_map<(d0, d1) -> (0)>
#map1 = affine_map<(d0, d1) -> (0, 0)>
module attributes {stable_mosaic.version = 14 : i64} {
  func.func @_sc_gather(%arg0: i32, %arg1: i32, %arg2: memref<8192xi32, #tpu.memory_space<hbm>>, %arg3: memref<30522x768xf32, #tpu.memory_space<hbm>>, %arg4: memref<8192x768xf32, #tpu.memory_space<hbm>>, %arg5: memref<256xi32, #tpu.memory_space<vmem>>, %arg6: memref<64x768xf32, #tpu.memory_space<vmem>>, %arg7: memref<64x768xf32, #tpu.memory_space<vmem>>, %arg8: memref<!tpu.dma_semaphore, #tpu.memory_space<semaphore_mem>>, %arg9: memref<!tpu.dma_semaphore, #tpu.memory_space<semaphore_mem>>, %arg10: memref<!tpu.dma_semaphore, #tpu.memory_space<semaphore_mem>>, %arg11: memref<!tpu.dma_semaphore, #tpu.memory_space<semaphore_mem>>) attributes {dimension_semantics = [#tpu.dimension_semantics<core_parallel>, #tpu.dimension_semantics<subcore_parallel>], iteration_bounds = array<i64: 2, 16>, scalar_prefetch = 0 : i64, scratch_operands = 7 : i64, tpu.core_type = #tpu.core_type<sc_vector_subcore>, window_params = [{transform_indices = #map}, {transform_indices = #map1}, {transform_indices = #map1}]} {
    %mul3A = arith.constant 2 : i32
    %mul3A_0 = arith.muli %arg1, %mul3A : i32
    %add3A = arith.addi %mul3A_0, %arg0 : i32
    %mul3A_1 = arith.constant 256 : i32
    %mul3A_2 = arith.muli %add3A, %mul3A_1 : i32
    "tpu.region"() ({
      %run_scoped3A = tpu.sem_alloc : memref<!tpu.dma_semaphore, #tpu.memory_space<semaphore_mem>>
      %dma_start3A_18 = tpu.memref_slice %arg2[%mul3A_2] : memref<8192xi32, #tpu.memory_space<hbm>> -> memref<256xi32, #tpu.memory_space<hbm>>
      %dma_start3A_19 = tpu.memref_slice %arg2[%mul3A_2] : memref<8192xi32, #tpu.memory_space<hbm>> -> memref<256xi32, #tpu.memory_space<hbm>>
      tpu.enqueue_dma source(%dma_start3A_19 : memref<256xi32, #tpu.memory_space<hbm>>) target(%arg5 : memref<256xi32, #tpu.memory_space<vmem>>) target_semaphore(%run_scoped3A : memref<!tpu.dma_semaphore, #tpu.memory_space<semaphore_mem>>)
      %dma_wait3A = tpu.memref_slice %arg2[%mul3A_2] : memref<8192xi32, #tpu.memory_space<hbm>> -> memref<256xi32, #tpu.memory_space<hbm>>
      %dma_wait3A_20 = tpu.memref_slice %arg2[%mul3A_2] : memref<8192xi32, #tpu.memory_space<hbm>> -> memref<256xi32, #tpu.memory_space<hbm>>
      tpu.wait_dma2 semaphore(%run_scoped3A : memref<!tpu.dma_semaphore, #tpu.memory_space<semaphore_mem>>) src(%dma_wait3A_20 : memref<256xi32, #tpu.memory_space<hbm>>) dst(%arg5 : memref<256xi32, #tpu.memory_space<vmem>>)
      tpu.yield
    }) : () -> ()
    %dma_start3A = arith.constant 0 : i32
    %dma_start3A_3 = tpu.memref_slice %arg5[%dma_start3A] : memref<256xi32, #tpu.memory_space<vmem>> -> memref<64xi32, #tpu.memory_space<vmem>>
    %dma_start3A_4 = arith.constant 0 : i32
    %dma_start3A_5 = arith.constant 0 : i32
    %dma_start3A_6 = tpu.memref_slice %arg3[%dma_start3A_4, %dma_start3A_5] : memref<30522x768xf32, #tpu.memory_space<hbm>> -> memref<30522x768xf32, #tpu.memory_space<hbm>>
    tpu.enqueue_indirect_dma source(%dma_start3A_6 : memref<30522x768xf32, #tpu.memory_space<hbm>>) target(%arg6 : memref<64x768xf32, #tpu.memory_space<vmem>>) offsets(%dma_start3A_3 : memref<64xi32, #tpu.memory_space<vmem>>) semaphore(%arg8 : memref<!tpu.dma_semaphore, #tpu.memory_space<semaphore_mem>>)
    %dma_start3A_7 = arith.constant 64 : i32
    %dma_start3A_8 = tpu.memref_slice %arg5[%dma_start3A_7] : memref<256xi32, #tpu.memory_space<vmem>> -> memref<64xi32, #tpu.memory_space<vmem>>
    %dma_start3A_9 = arith.constant 0 : i32
    %dma_start3A_10 = arith.constant 0 : i32
    %dma_start3A_11 = tpu.memref_slice %arg3[%dma_start3A_9, %dma_start3A_10] : memref<30522x768xf32, #tpu.memory_space<hbm>> -> memref<30522x768xf32, #tpu.memory_space<hbm>>
    tpu.enqueue_indirect_dma source(%dma_start3A_11 : memref<30522x768xf32, #tpu.memory_space<hbm>>) target(%arg7 : memref<64x768xf32, #tpu.memory_space<vmem>>) offsets(%dma_start3A_8 : memref<64xi32, #tpu.memory_space<vmem>>) semaphore(%arg9 : memref<!tpu.dma_semaphore, #tpu.memory_space<semaphore_mem>>)
    %scan3A = arith.constant 0 : i32
    %scan3A_12 = arith.constant 0 : i32
    %scan3A_13 = arith.constant 2 : i32
    %scan3A_14 = arith.addi %scan3A_12, %scan3A_13 : i32
    %scan3A_15 = arith.constant 1 : i32
    %scan3A_16 = scf.for %scan3A_18 = %scan3A_12 to %scan3A_14 step %scan3A_15 iter_args(%scan3A_19 = %scan3A) -> (i32)  : i32 {
      %mul3A_20 = arith.constant 2 : i32
      %mul3A_21 = arith.muli %mul3A_20, %scan3A_18 : i32
      %add3A_22 = arith.constant 1 : i32
      %add3A_23 = arith.addi %mul3A_21, %add3A_22 : i32
      %mul3A_24 = arith.constant 64 : i32
      %mul3A_25 = arith.muli %mul3A_21, %mul3A_24 : i32
      %dma_wait3A = tpu.memref_slice %arg5[%mul3A_25] : memref<256xi32, #tpu.memory_space<vmem>> -> memref<64xi32, #tpu.memory_space<vmem>>
      %dma_wait3A_26 = arith.constant 0 : i32
      %dma_wait3A_27 = arith.constant 0 : i32
      %dma_wait3A_28 = tpu.memref_slice %arg3[%dma_wait3A_26, %dma_wait3A_27] : memref<30522x768xf32, #tpu.memory_space<hbm>> -> memref<30522x768xf32, #tpu.memory_space<hbm>>
      tpu.wait_indirect_dma semaphore(%arg8 : memref<!tpu.dma_semaphore, #tpu.memory_space<semaphore_mem>>) src(%dma_wait3A_28 : memref<30522x768xf32, #tpu.memory_space<hbm>>) dst(%arg6 : memref<64x768xf32, #tpu.memory_space<vmem>>)
      %mul3A_29 = arith.constant 64 : i32
      %mul3A_30 = arith.muli %mul3A_21, %mul3A_29 : i32
      %add3A_31 = arith.addi %mul3A_2, %mul3A_30 : i32
      %dma_start3A_32 = arith.constant 0 : i32
      %dma_start3A_33 = tpu.memref_slice %arg4[%add3A_31, %dma_start3A_32] : memref<8192x768xf32, #tpu.memory_space<hbm>> -> memref<64x768xf32, #tpu.memory_space<hbm>>
      %dma_start3A_34 = arith.constant 0 : i32
      %dma_start3A_35 = tpu.memref_slice %arg4[%add3A_31, %dma_start3A_34] : memref<8192x768xf32, #tpu.memory_space<hbm>> -> memref<64x768xf32, #tpu.memory_space<hbm>>
      tpu.enqueue_dma source(%arg6 : memref<64x768xf32, #tpu.memory_space<vmem>>) target(%dma_start3A_35 : memref<64x768xf32, #tpu.memory_space<hbm>>) target_semaphore(%arg10 : memref<!tpu.dma_semaphore, #tpu.memory_space<semaphore_mem>>)
      %mul3A_36 = arith.constant 64 : i32
      %mul3A_37 = arith.muli %add3A_23, %mul3A_36 : i32
      %dma_wait3A_38 = tpu.memref_slice %arg5[%mul3A_37] : memref<256xi32, #tpu.memory_space<vmem>> -> memref<64xi32, #tpu.memory_space<vmem>>
      %dma_wait3A_39 = arith.constant 0 : i32
      %dma_wait3A_40 = arith.constant 0 : i32
      %dma_wait3A_41 = tpu.memref_slice %arg3[%dma_wait3A_39, %dma_wait3A_40] : memref<30522x768xf32, #tpu.memory_space<hbm>> -> memref<30522x768xf32, #tpu.memory_space<hbm>>
      tpu.wait_indirect_dma semaphore(%arg9 : memref<!tpu.dma_semaphore, #tpu.memory_space<semaphore_mem>>) src(%dma_wait3A_41 : memref<30522x768xf32, #tpu.memory_space<hbm>>) dst(%arg7 : memref<64x768xf32, #tpu.memory_space<vmem>>)
      %mul3A_42 = arith.constant 64 : i32
      %mul3A_43 = arith.muli %add3A_23, %mul3A_42 : i32
      %add3A_44 = arith.addi %mul3A_2, %mul3A_43 : i32
      %dma_start3A_45 = arith.constant 0 : i32
      %dma_start3A_46 = tpu.memref_slice %arg4[%add3A_44, %dma_start3A_45] : memref<8192x768xf32, #tpu.memory_space<hbm>> -> memref<64x768xf32, #tpu.memory_space<hbm>>
      %dma_start3A_47 = arith.constant 0 : i32
      %dma_start3A_48 = tpu.memref_slice %arg4[%add3A_44, %dma_start3A_47] : memref<8192x768xf32, #tpu.memory_space<hbm>> -> memref<64x768xf32, #tpu.memory_space<hbm>>
      tpu.enqueue_dma source(%arg7 : memref<64x768xf32, #tpu.memory_space<vmem>>) target(%dma_start3A_48 : memref<64x768xf32, #tpu.memory_space<hbm>>) target_semaphore(%arg11 : memref<!tpu.dma_semaphore, #tpu.memory_space<semaphore_mem>>)
      %mul3A_49 = arith.constant 64 : i32
      %mul3A_50 = arith.muli %mul3A_21, %mul3A_49 : i32
      %add3A_51 = arith.addi %mul3A_2, %mul3A_50 : i32
      %dma_wait3A_52 = arith.constant 0 : i32
      %dma_wait3A_53 = tpu.memref_slice %arg4[%add3A_51, %dma_wait3A_52] : memref<8192x768xf32, #tpu.memory_space<hbm>> -> memref<64x768xf32, #tpu.memory_space<hbm>>
      %dma_wait3A_54 = arith.constant 0 : i32
      %dma_wait3A_55 = tpu.memref_slice %arg4[%add3A_51, %dma_wait3A_54] : memref<8192x768xf32, #tpu.memory_space<hbm>> -> memref<64x768xf32, #tpu.memory_space<hbm>>
      tpu.wait_dma2 semaphore(%arg10 : memref<!tpu.dma_semaphore, #tpu.memory_space<semaphore_mem>>) src(%arg6 : memref<64x768xf32, #tpu.memory_space<vmem>>) dst(%dma_wait3A_55 : memref<64x768xf32, #tpu.memory_space<hbm>>)
      %add3A_56 = arith.constant 2 : i32
      %add3A_57 = arith.addi %mul3A_21, %add3A_56 : i32
      %lt3A = arith.constant 4 : i32
      %lt3A_58 = arith.cmpi slt, %add3A_57, %lt3A : i32
      %convert_element_type3A = arith.extui %lt3A_58 : i1 to i32
      %cond3A = arith.constant 0 : i32
      %cond3A_59 = arith.cmpi ne, %convert_element_type3A, %cond3A : i32
      scf.if %cond3A_59 {
        %add3A_75 = arith.constant 2 : i32
        %add3A_76 = arith.addi %mul3A_21, %add3A_75 : i32
        %mul3A_77 = arith.constant 64 : i32
        %mul3A_78 = arith.muli %add3A_76, %mul3A_77 : i32
        %dma_start3A_79 = tpu.memref_slice %arg5[%mul3A_78] : memref<256xi32, #tpu.memory_space<vmem>> -> memref<64xi32, #tpu.memory_space<vmem>>
        %dma_start3A_80 = arith.constant 0 : i32
        %dma_start3A_81 = arith.constant 0 : i32
        %dma_start3A_82 = tpu.memref_slice %arg3[%dma_start3A_80, %dma_start3A_81] : memref<30522x768xf32, #tpu.memory_space<hbm>> -> memref<30522x768xf32, #tpu.memory_space<hbm>>
        tpu.enqueue_indirect_dma source(%dma_start3A_82 : memref<30522x768xf32, #tpu.memory_space<hbm>>) target(%arg6 : memref<64x768xf32, #tpu.memory_space<vmem>>) offsets(%dma_start3A_79 : memref<64xi32, #tpu.memory_space<vmem>>) semaphore(%arg8 : memref<!tpu.dma_semaphore, #tpu.memory_space<semaphore_mem>>)
      } else {
      }
      %mul3A_60 = arith.constant 64 : i32
      %mul3A_61 = arith.muli %add3A_23, %mul3A_60 : i32
      %add3A_62 = arith.addi %mul3A_2, %mul3A_61 : i32
      %dma_wait3A_63 = arith.constant 0 : i32
      %dma_wait3A_64 = tpu.memref_slice %arg4[%add3A_62, %dma_wait3A_63] : memref<8192x768xf32, #tpu.memory_space<hbm>> -> memref<64x768xf32, #tpu.memory_space<hbm>>
      %dma_wait3A_65 = arith.constant 0 : i32
      %dma_wait3A_66 = tpu.memref_slice %arg4[%add3A_62, %dma_wait3A_65] : memref<8192x768xf32, #tpu.memory_space<hbm>> -> memref<64x768xf32, #tpu.memory_space<hbm>>
      tpu.wait_dma2 semaphore(%arg11 : memref<!tpu.dma_semaphore, #tpu.memory_space<semaphore_mem>>) src(%arg7 : memref<64x768xf32, #tpu.memory_space<vmem>>) dst(%dma_wait3A_66 : memref<64x768xf32, #tpu.memory_space<hbm>>)
      %add3A_67 = arith.constant 2 : i32
      %add3A_68 = arith.addi %add3A_23, %add3A_67 : i32
      %lt3A_69 = arith.constant 4 : i32
      %lt3A_70 = arith.cmpi slt, %add3A_68, %lt3A_69 : i32
      %convert_element_type3A_71 = arith.extui %lt3A_70 : i1 to i32
      %cond3A_72 = arith.constant 0 : i32
      %cond3A_73 = arith.cmpi ne, %convert_element_type3A_71, %cond3A_72 : i32
      scf.if %cond3A_73 {
        %add3A_75 = arith.constant 2 : i32
        %add3A_76 = arith.addi %add3A_23, %add3A_75 : i32
        %mul3A_77 = arith.constant 64 : i32
        %mul3A_78 = arith.muli %add3A_76, %mul3A_77 : i32
        %dma_start3A_79 = tpu.memref_slice %arg5[%mul3A_78] : memref<256xi32, #tpu.memory_space<vmem>> -> memref<64xi32, #tpu.memory_space<vmem>>
        %dma_start3A_80 = arith.constant 0 : i32
        %dma_start3A_81 = arith.constant 0 : i32
        %dma_start3A_82 = tpu.memref_slice %arg3[%dma_start3A_80, %dma_start3A_81] : memref<30522x768xf32, #tpu.memory_space<hbm>> -> memref<30522x768xf32, #tpu.memory_space<hbm>>
        tpu.enqueue_indirect_dma source(%dma_start3A_82 : memref<30522x768xf32, #tpu.memory_space<hbm>>) target(%arg7 : memref<64x768xf32, #tpu.memory_space<vmem>>) offsets(%dma_start3A_79 : memref<64xi32, #tpu.memory_space<vmem>>) semaphore(%arg9 : memref<!tpu.dma_semaphore, #tpu.memory_space<semaphore_mem>>)
      } else {
      }
      %scan3A_74 = arith.constant 0 : i32
      scf.yield %scan3A_74 : i32
    }
    %scan3A_17 = arith.constant 2 : i32
    return
  }
}

#map = affine_map<(d0, d1) -> (0)>
#map1 = affine_map<(d0, d1) -> (0, 0)>
module attributes {stable_mosaic.version = 14 : i64} {
  func.func @_sc_gather(%arg0: i32, %arg1: i32, %arg2: memref<8192xi32, #tpu.memory_space<hbm>>, %arg3: memref<30522x768xf32, #tpu.memory_space<hbm>>, %arg4: memref<8192x768xf32, #tpu.memory_space<hbm>>, %arg5: memref<256xi32, #tpu.memory_space<vmem>>, %arg6: memref<64x768xf32, #tpu.memory_space<vmem>>, %arg7: memref<64x768xf32, #tpu.memory_space<vmem>>, %arg8: memref<!tpu.dma_semaphore, #tpu.memory_space<semaphore_mem>>, %arg9: memref<!tpu.dma_semaphore, #tpu.memory_space<semaphore_mem>>, %arg10: memref<!tpu.dma_semaphore, #tpu.memory_space<semaphore_mem>>, %arg11: memref<!tpu.dma_semaphore, #tpu.memory_space<semaphore_mem>>) attributes {dimension_semantics = [#tpu.dimension_semantics<core_parallel>, #tpu.dimension_semantics<subcore_parallel>], iteration_bounds = array<i64: 2, 16>, scalar_prefetch = 0 : i64, scratch_operands = 7 : i64, tpu.core_type = #tpu.core_type<sc_vector_subcore>, window_params = [{transform_indices = #map}, {transform_indices = #map1}, {transform_indices = #map1}]} {
    %mul3A = arith.constant 2 : i32
    %mul3A_0 = arith.muli %arg1, %mul3A : i32
    %add3A = arith.addi %mul3A_0, %arg0 : i32
    %mul3A_1 = arith.constant 256 : i32
    %mul3A_2 = arith.muli %add3A, %mul3A_1 : i32
    "tpu.region"() ({
      %run_scoped3A = tpu.sem_alloc : memref<!tpu.dma_semaphore, #tpu.memory_space<semaphore_mem>>
      %dma_start3A_18 = tpu.memref_slice %arg2[%mul3A_2] : memref<8192xi32, #tpu.memory_space<hbm>> -> memref<256xi32, #tpu.memory_space<hbm>>
      %dma_start3A_19 = tpu.memref_slice %arg2[%mul3A_2] : memref<8192xi32, #tpu.memory_space<hbm>> -> memref<256xi32, #tpu.memory_space<hbm>>
      tpu.enqueue_dma source(%dma_start3A_19 : memref<256xi32, #tpu.memory_space<hbm>>) target(%arg5 : memref<256xi32, #tpu.memory_space<vmem>>) target_semaphore(%run_scoped3A : memref<!tpu.dma_semaphore, #tpu.memory_space<semaphore_mem>>)
      %dma_wait3A = tpu.memref_slice %arg2[%mul3A_2] : memref<8192xi32, #tpu.memory_space<hbm>> -> memref<256xi32, #tpu.memory_space<hbm>>
      %dma_wait3A_20 = tpu.memref_slice %arg2[%mul3A_2] : memref<8192xi32, #tpu.memory_space<hbm>> -> memref<256xi32, #tpu.memory_space<hbm>>
      tpu.wait_dma2 semaphore(%run_scoped3A : memref<!tpu.dma_semaphore, #tpu.memory_space<semaphore_mem>>) src(%dma_wait3A_20 : memref<256xi32, #tpu.memory_space<hbm>>) dst(%arg5 : memref<256xi32, #tpu.memory_space<vmem>>)
      tpu.yield
    }) : () -> ()
    %dma_start3A = arith.constant 0 : i32
    %dma_start3A_3 = tpu.memref_slice %arg5[%dma_start3A] : memref<256xi32, #tpu.memory_space<vmem>> -> memref<64xi32, #tpu.memory_space<vmem>>
    %dma_start3A_4 = arith.constant 0 : i32
    %dma_start3A_5 = arith.constant 0 : i32
    %dma_start3A_6 = tpu.memref_slice %arg3[%dma_start3A_4, %dma_start3A_5] : memref<30522x768xf32, #tpu.memory_space<hbm>> -> memref<30522x768xf32, #tpu.memory_space<hbm>>
    tpu.enqueue_indirect_dma source(%dma_start3A_6 : memref<30522x768xf32, #tpu.memory_space<hbm>>) target(%arg6 : memref<64x768xf32, #tpu.memory_space<vmem>>) offsets(%dma_start3A_3 : memref<64xi32, #tpu.memory_space<vmem>>) semaphore(%arg8 : memref<!tpu.dma_semaphore, #tpu.memory_space<semaphore_mem>>)
    %dma_start3A_7 = arith.constant 64 : i32
    %dma_start3A_8 = tpu.memref_slice %arg5[%dma_start3A_7] : memref<256xi32, #tpu.memory_space<vmem>> -> memref<64xi32, #tpu.memory_space<vmem>>
    %dma_start3A_9 = arith.constant 0 : i32
    %dma_start3A_10 = arith.constant 0 : i32
    %dma_start3A_11 = tpu.memref_slice %arg3[%dma_start3A_9, %dma_start3A_10] : memref<30522x768xf32, #tpu.memory_space<hbm>> -> memref<30522x768xf32, #tpu.memory_space<hbm>>
    tpu.enqueue_indirect_dma source(%dma_start3A_11 : memref<30522x768xf32, #tpu.memory_space<hbm>>) target(%arg7 : memref<64x768xf32, #tpu.memory_space<vmem>>) offsets(%dma_start3A_8 : memref<64xi32, #tpu.memory_space<vmem>>) semaphore(%arg9 : memref<!tpu.dma_semaphore, #tpu.memory_space<semaphore_mem>>)
    %scan3A = arith.constant 0 : i32
    %scan3A_12 = arith.constant 0 : i32
    %scan3A_13 = arith.constant 2 : i32
    %scan3A_14 = arith.addi %scan3A_12, %scan3A_13 : i32
    %scan3A_15 = arith.constant 1 : i32
    %scan3A_16 = scf.for %scan3A_18 = %scan3A_12 to %scan3A_14 step %scan3A_15 iter_args(%scan3A_19 = %scan3A) -> (i32)  : i32 {
      %mul3A_20 = arith.constant 2 : i32
      %mul3A_21 = arith.muli %mul3A_20, %scan3A_18 : i32
      %add3A_22 = arith.constant 1 : i32
      %add3A_23 = arith.addi %mul3A_21, %add3A_22 : i32
      %mul3A_24 = arith.constant 64 : i32
      %mul3A_25 = arith.muli %mul3A_21, %mul3A_24 : i32
      %dma_wait3A = tpu.memref_slice %arg5[%mul3A_25] : memref<256xi32, #tpu.memory_space<vmem>> -> memref<64xi32, #tpu.memory_space<vmem>>
      %dma_wait3A_26 = arith.constant 0 : i32
      %dma_wait3A_27 = arith.constant 0 : i32
      %dma_wait3A_28 = tpu.memref_slice %arg3[%dma_wait3A_26, %dma_wait3A_27] : memref<30522x768xf32, #tpu.memory_space<hbm>> -> memref<30522x768xf32, #tpu.memory_space<hbm>>
      tpu.wait_indirect_dma semaphore(%arg8 : memref<!tpu.dma_semaphore, #tpu.memory_space<semaphore_mem>>) src(%dma_wait3A_28 : memref<30522x768xf32, #tpu.memory_space<hbm>>) dst(%arg6 : memref<64x768xf32, #tpu.memory_space<vmem>>)
      %mul3A_29 = arith.constant 64 : i32
      %mul3A_30 = arith.muli %mul3A_21, %mul3A_29 : i32
      %add3A_31 = arith.addi %mul3A_2, %mul3A_30 : i32
      %dma_start3A_32 = arith.constant 0 : i32
      %dma_start3A_33 = tpu.memref_slice %arg4[%add3A_31, %dma_start3A_32] : memref<8192x768xf32, #tpu.memory_space<hbm>> -> memref<64x768xf32, #tpu.memory_space<hbm>>
      %dma_start3A_34 = arith.constant 0 : i32
      %dma_start3A_35 = tpu.memref_slice %arg4[%add3A_31, %dma_start3A_34] : memref<8192x768xf32, #tpu.memory_space<hbm>> -> memref<64x768xf32, #tpu.memory_space<hbm>>
      tpu.enqueue_dma source(%arg6 : memref<64x768xf32, #tpu.memory_space<vmem>>) target(%dma_start3A_35 : memref<64x768xf32, #tpu.memory_space<hbm>>) target_semaphore(%arg10 : memref<!tpu.dma_semaphore, #tpu.memory_space<semaphore_mem>>)
      %mul3A_36 = arith.constant 64 : i32
      %mul3A_37 = arith.muli %add3A_23, %mul3A_36 : i32
      %dma_wait3A_38 = tpu.memref_slice %arg5[%mul3A_37] : memref<256xi32, #tpu.memory_space<vmem>> -> memref<64xi32, #tpu.memory_space<vmem>>
      %dma_wait3A_39 = arith.constant 0 : i32
      %dma_wait3A_40 = arith.constant 0 : i32
      %dma_wait3A_41 = tpu.memref_slice %arg3[%dma_wait3A_39, %dma_wait3A_40] : memref<30522x768xf32, #tpu.memory_space<hbm>> -> memref<30522x768xf32, #tpu.memory_space<hbm>>
      tpu.wait_indirect_dma semaphore(%arg9 : memref<!tpu.dma_semaphore, #tpu.memory_space<semaphore_mem>>) src(%dma_wait3A_41 : memref<30522x768xf32, #tpu.memory_space<hbm>>) dst(%arg7 : memref<64x768xf32, #tpu.memory_space<vmem>>)
      %mul3A_42 = arith.constant 64 : i32
      %mul3A_43 = arith.muli %add3A_23, %mul3A_42 : i32
      %add3A_44 = arith.addi %mul3A_2, %mul3A_43 : i32
      %dma_start3A_45 = arith.constant 0 : i32
      %dma_start3A_46 = tpu.memref_slice %arg4[%add3A_44, %dma_start3A_45] : memref<8192x768xf32, #tpu.memory_space<hbm>> -> memref<64x768xf32, #tpu.memory_space<hbm>>
      %dma_start3A_47 = arith.constant 0 : i32
      %dma_start3A_48 = tpu.memref_slice %arg4[%add3A_44, %dma_start3A_47] : memref<8192x768xf32, #tpu.memory_space<hbm>> -> memref<64x768xf32, #tpu.memory_space<hbm>>
      tpu.enqueue_dma source(%arg7 : memref<64x768xf32, #tpu.memory_space<vmem>>) target(%dma_start3A_48 : memref<64x768xf32, #tpu.memory_space<hbm>>) target_semaphore(%arg11 : memref<!tpu.dma_semaphore, #tpu.memory_space<semaphore_mem>>)
      %mul3A_49 = arith.constant 64 : i32
      %mul3A_50 = arith.muli %mul3A_21, %mul3A_49 : i32
      %add3A_51 = arith.addi %mul3A_2, %mul3A_50 : i32
      %dma_wait3A_52 = arith.constant 0 : i32
      %dma_wait3A_53 = tpu.memref_slice %arg4[%add3A_51, %dma_wait3A_52] : memref<8192x768xf32, #tpu.memory_space<hbm>> -> memref<64x768xf32, #tpu.memory_space<hbm>>
      %dma_wait3A_54 = arith.constant 0 : i32
      %dma_wait3A_55 = tpu.memref_slice %arg4[%add3A_51, %dma_wait3A_54] : memref<8192x768xf32, #tpu.memory_space<hbm>> -> memref<64x768xf32, #tpu.memory_space<hbm>>
      tpu.wait_dma2 semaphore(%arg10 : memref<!tpu.dma_semaphore, #tpu.memory_space<semaphore_mem>>) src(%arg6 : memref<64x768xf32, #tpu.memory_space<vmem>>) dst(%dma_wait3A_55 : memref<64x768xf32, #tpu.memory_space<hbm>>)
      %add3A_56 = arith.constant 2 : i32
      %add3A_57 = arith.addi %mul3A_21, %add3A_56 : i32
      %lt3A = arith.constant 4 : i32
      %lt3A_58 = arith.cmpi slt, %add3A_57, %lt3A : i32
      %convert_element_type3A = arith.extui %lt3A_58 : i1 to i32
      %cond3A = arith.constant 0 : i32
      %cond3A_59 = arith.cmpi ne, %convert_element_type3A, %cond3A : i32
      scf.if %cond3A_59 {
        %add3A_75 = arith.constant 2 : i32
        %add3A_76 = arith.addi %mul3A_21, %add3A_75 : i32
        %mul3A_77 = arith.constant 64 : i32
        %mul3A_78 = arith.muli %add3A_76, %mul3A_77 : i32
        %dma_start3A_79 = tpu.memref_slice %arg5[%mul3A_78] : memref<256xi32, #tpu.memory_space<vmem>> -> memref<64xi32, #tpu.memory_space<vmem>>
        %dma_start3A_80 = arith.constant 0 : i32
        %dma_start3A_81 = arith.constant 0 : i32
        %dma_start3A_82 = tpu.memref_slice %arg3[%dma_start3A_80, %dma_start3A_81] : memref<30522x768xf32, #tpu.memory_space<hbm>> -> memref<30522x768xf32, #tpu.memory_space<hbm>>
        tpu.enqueue_indirect_dma source(%dma_start3A_82 : memref<30522x768xf32, #tpu.memory_space<hbm>>) target(%arg6 : memref<64x768xf32, #tpu.memory_space<vmem>>) offsets(%dma_start3A_79 : memref<64xi32, #tpu.memory_space<vmem>>) semaphore(%arg8 : memref<!tpu.dma_semaphore, #tpu.memory_space<semaphore_mem>>)
      } else {
      }
      %mul3A_60 = arith.constant 64 : i32
      %mul3A_61 = arith.muli %add3A_23, %mul3A_60 : i32
      %add3A_62 = arith.addi %mul3A_2, %mul3A_61 : i32
      %dma_wait3A_63 = arith.constant 0 : i32
      %dma_wait3A_64 = tpu.memref_slice %arg4[%add3A_62, %dma_wait3A_63] : memref<8192x768xf32, #tpu.memory_space<hbm>> -> memref<64x768xf32, #tpu.memory_space<hbm>>
      %dma_wait3A_65 = arith.constant 0 : i32
      %dma_wait3A_66 = tpu.memref_slice %arg4[%add3A_62, %dma_wait3A_65] : memref<8192x768xf32, #tpu.memory_space<hbm>> -> memref<64x768xf32, #tpu.memory_space<hbm>>
      tpu.wait_dma2 semaphore(%arg11 : memref<!tpu.dma_semaphore, #tpu.memory_space<semaphore_mem>>) src(%arg7 : memref<64x768xf32, #tpu.memory_space<vmem>>) dst(%dma_wait3A_66 : memref<64x768xf32, #tpu.memory_space<hbm>>)
      %add3A_67 = arith.constant 2 : i32
      %add3A_68 = arith.addi %add3A_23, %add3A_67 : i32
      %lt3A_69 = arith.constant 4 : i32
      %lt3A_70 = arith.cmpi slt, %add3A_68, %lt3A_69 : i32
      %convert_element_type3A_71 = arith.extui %lt3A_70 : i1 to i32
      %cond3A_72 = arith.constant 0 : i32
      %cond3A_73 = arith.cmpi ne, %convert_element_type3A_71, %cond3A_72 : i32
      scf.if %cond3A_73 {
        %add3A_75 = arith.constant 2 : i32
        %add3A_76 = arith.addi %add3A_23, %add3A_75 : i32
        %mul3A_77 = arith.constant 64 : i32
        %mul3A_78 = arith.muli %add3A_76, %mul3A_77 : i32
        %dma_start3A_79 = tpu.memref_slice %arg5[%mul3A_78] : memref<256xi32, #tpu.memory_space<vmem>> -> memref<64xi32, #tpu.memory_space<vmem>>
        %dma_start3A_80 = arith.constant 0 : i32
        %dma_start3A_81 = arith.constant 0 : i32
        %dma_start3A_82 = tpu.memref_slice %arg3[%dma_start3A_80, %dma_start3A_81] : memref<30522x768xf32, #tpu.memory_space<hbm>> -> memref<30522x768xf32, #tpu.memory_space<hbm>>
        tpu.enqueue_indirect_dma source(%dma_start3A_82 : memref<30522x768xf32, #tpu.memory_space<hbm>>) target(%arg7 : memref<64x768xf32, #tpu.memory_space<vmem>>) offsets(%dma_start3A_79 : memref<64xi32, #tpu.memory_space<vmem>>) semaphore(%arg9 : memref<!tpu.dma_semaphore, #tpu.memory_space<semaphore_mem>>)
      } else {
      }
      %scan3A_74 = arith.constant 0 : i32
      scf.yield %scan3A_74 : i32
    }
    %scan3A_17 = arith.constant 2 : i32
    return
  }
}

module attributes {stable_mosaic.version = 14 : i64} {
  func.func @_ln_first(%arg0: i32, %arg1: memref<2048x768xf32, #tpu.memory_space<vmem>>, %arg2: memref<2048xi32, #tpu.memory_space<vmem>>, %arg3: memref<2048xi32, #tpu.memory_space<vmem>>, %arg4: memref<512x768xf32, #tpu.memory_space<vmem>>, %arg5: memref<8x768xf32, #tpu.memory_space<vmem>>, %arg6: memref<1x768xf32, #tpu.memory_space<vmem>>, %arg7: memref<1x768xf32, #tpu.memory_space<vmem>>, %arg8: memref<2048x768xf32, #tpu.memory_space<vmem>>) attributes {dimension_semantics = [#tpu.dimension_semantics<arbitrary>], iteration_bounds = array<i64: 4>, scalar_prefetch = 0 : i64, scratch_operands = 0 : i64, tpu.core_type = #tpu.core_type<tc>, window_params = [{transform_indices = @transform_0, window_bounds = array<i64: 2048, 768>}, {transform_indices = @transform_1, window_bounds = array<i64: 2048>}, {transform_indices = @transform_2, window_bounds = array<i64: 2048>}, {pipeline_mode = #tpu.pipeline_mode<synchronous>, transform_indices = @transform_3, window_bounds = array<i64: 512, 768>}, {pipeline_mode = #tpu.pipeline_mode<synchronous>, transform_indices = @transform_4, window_bounds = array<i64: 8, 768>}, {pipeline_mode = #tpu.pipeline_mode<synchronous>, transform_indices = @transform_5, window_bounds = array<i64: 1, 768>}, {pipeline_mode = #tpu.pipeline_mode<synchronous>, transform_indices = @transform_6, window_bounds = array<i64: 1, 768>}, {transform_indices = @transform_7, window_bounds = array<i64: 2048, 768>}]} {
    %get3A = arith.constant 0 : index
    %get3A_0 = vector.load %arg2[%get3A] : memref<2048xi32, #tpu.memory_space<vmem>>, vector<2048xi32>
    %get3A_1 = arith.constant 0 : index
    %get3A_2 = vector.load %arg3[%get3A_1] : memref<2048xi32, #tpu.memory_space<vmem>>, vector<2048xi32>
    %iota3A = tpu.iota {dimensions = array<i32: 1>} : vector<2048x8xi32>
    %broadcast_in_dim3A = vector.shape_cast %get3A_0 : vector<2048xi32> to vector<2048x1xi32>
    %eq3A = vector.broadcast %broadcast_in_dim3A : vector<2048x1xi32> to vector<2048x8xi32>
    %eq3A_3 = arith.cmpi eq, %iota3A, %eq3A : vector<2048x8xi32>
    %broadcast_in_dim3A_4 = vector.shape_cast %get3A_2 : vector<2048xi32> to vector<2048x1xi32>
    %add3A = arith.constant 2 : i32
    %add3A_5 = vector.broadcast %add3A : i32 to vector<2048x1xi32>
    %add3A_6 = arith.addi %broadcast_in_dim3A_4, %add3A_5 : vector<2048x1xi32>
    %eq3A_7 = vector.broadcast %add3A_6 : vector<2048x1xi32> to vector<2048x8xi32>
    %eq3A_8 = arith.cmpi eq, %iota3A, %eq3A_7 : vector<2048x8xi32>
    %or3A = arith.ori %eq3A_3, %eq3A_8 : vector<2048x8xi1>
    %convert_element_type3A = arith.extui %or3A : vector<2048x8xi1> to vector<2048x8xi32>
    %convert_element_type3A_9 = arith.sitofp %convert_element_type3A : vector<2048x8xi32> to vector<2048x8xf32>
    %get3A_10 = arith.constant 0 : index
    %get3A_11 = arith.constant 0 : index
    %get3A_12 = vector.load %arg5[%get3A_10, %get3A_11] : memref<8x768xf32, #tpu.memory_space<vmem>>, vector<8x768xf32>
    %dot_general3A = arith.constant dense<0.000000e+00> : vector<2048x768xf32>
    %dot_general3A_13 = tpu.matmul %convert_element_type3A_9, %get3A_12, %dot_general3A {dimension_numbers = #tpu.dot_dimension_numbers<[1], [0], [0], [1], [0, 0, 1, 1], [], []>, transpose_lhs_hint = false} : vector<2048x8xf32>, vector<8x768xf32>, vector<2048x768xf32> -> vector<2048x768xf32>
    %get3A_14 = arith.constant 0 : index
    %get3A_15 = arith.constant 0 : index
    %get3A_16 = vector.load %arg4[%get3A_14, %get3A_15] : memref<512x768xf32, #tpu.memory_space<vmem>>, vector<512x768xf32>
    %get3A_17 = arith.constant 0 : index
    %get3A_18 = arith.constant 0 : index
    %get3A_19 = vector.load %arg1[%get3A_17, %get3A_18] : memref<2048x768xf32, #tpu.memory_space<vmem>>, vector<2048x768xf32>
    %add3A_20 = arith.addf %get3A_19, %dot_general3A_13 : vector<2048x768xf32>
    %reshape3A = vector.shape_cast %add3A_20 : vector<2048x768xf32> to vector<4x512x768xf32>
    %broadcast_in_dim3A_21 = vector.shape_cast %get3A_16 : vector<512x768xf32> to vector<1x512x768xf32>
    %add3A_22 = vector.broadcast %broadcast_in_dim3A_21 : vector<1x512x768xf32> to vector<4x512x768xf32>
    %add3A_23 = arith.addf %reshape3A, %add3A_22 : vector<4x512x768xf32>
    %reshape3A_24 = vector.shape_cast %add3A_23 : vector<4x512x768xf32> to vector<2048x768xf32>
    %reduce_sum3A = arith.constant dense<0.000000e+00> : vector<2048xf32>
    %reduce_sum3A_25 = vector.multi_reduction <add>, %reshape3A_24, %reduce_sum3A [1] : vector<2048x768xf32> to vector<2048xf32>
    %broadcast_in_dim3A_26 = vector.shape_cast %reduce_sum3A_25 : vector<2048xf32> to vector<2048x1xf32>
    %div3A = arith.constant 7.680000e+02 : f32
    %div3A_27 = vector.broadcast %div3A : f32 to vector<2048x1xf32>
    %div3A_28 = arith.divf %broadcast_in_dim3A_26, %div3A_27 : vector<2048x1xf32>
    %sub3A = vector.broadcast %div3A_28 : vector<2048x1xf32> to vector<2048x768xf32>
    %sub3A_29 = arith.subf %reshape3A_24, %sub3A : vector<2048x768xf32>
    %mul3A = arith.mulf %sub3A_29, %sub3A_29 : vector<2048x768xf32>
    %reduce_sum3A_30 = arith.constant dense<0.000000e+00> : vector<2048xf32>
    %reduce_sum3A_31 = vector.multi_reduction <add>, %mul3A, %reduce_sum3A_30 [1] : vector<2048x768xf32> to vector<2048xf32>
    %broadcast_in_dim3A_32 = vector.shape_cast %reduce_sum3A_31 : vector<2048xf32> to vector<2048x1xf32>
    %div3A_33 = arith.constant 7.680000e+02 : f32
    %div3A_34 = vector.broadcast %div3A_33 : f32 to vector<2048x1xf32>
    %div3A_35 = arith.divf %broadcast_in_dim3A_32, %div3A_34 : vector<2048x1xf32>
    %add3A_36 = arith.constant 9.99999996E-13 : f32
    %add3A_37 = vector.broadcast %add3A_36 : f32 to vector<2048x1xf32>
    %add3A_38 = arith.addf %div3A_35, %add3A_37 : vector<2048x1xf32>
    %rsqrt3A = math.rsqrt %add3A_38 : vector<2048x1xf32>
    %mul3A_39 = vector.broadcast %rsqrt3A : vector<2048x1xf32> to vector<2048x768xf32>
    %mul3A_40 = arith.mulf %sub3A_29, %mul3A_39 : vector<2048x768xf32>
    %get3A_41 = arith.constant 0 : index
    %get3A_42 = arith.constant 0 : index
    %get3A_43 = vector.load %arg6[%get3A_41, %get3A_42] : memref<1x768xf32, #tpu.memory_space<vmem>>, vector<1x768xf32>
    %mul3A_44 = vector.broadcast %get3A_43 : vector<1x768xf32> to vector<2048x768xf32>
    %mul3A_45 = arith.mulf %mul3A_40, %mul3A_44 : vector<2048x768xf32>
    %get3A_46 = arith.constant 0 : index
    %get3A_47 = arith.constant 0 : index
    %get3A_48 = vector.load %arg7[%get3A_46, %get3A_47] : memref<1x768xf32, #tpu.memory_space<vmem>>, vector<1x768xf32>
    %add3A_49 = vector.broadcast %get3A_48 : vector<1x768xf32> to vector<2048x768xf32>
    %add3A_50 = arith.addf %mul3A_45, %add3A_49 : vector<2048x768xf32>
    %swap3A = arith.constant 0 : index
    %swap3A_51 = arith.constant 0 : index
    %swap3A_52 = vector.load %arg8[%swap3A, %swap3A_51] : memref<2048x768xf32, #tpu.memory_space<vmem>>, vector<2048x768xf32>
    tpu.vector_store %arg8[%swap3A, %swap3A_51], %add3A_50 {strides = array<i32>} : memref<2048x768xf32, #tpu.memory_space<vmem>>, vector<2048x768xf32>,
    return
  }
  func.func @transform_0(%arg0: i32) -> (i32, i32) {
    %c0_i32 = arith.constant 0 : i32
    %c0_i32_0 = arith.constant 0 : i32
    return %arg0, %c0_i32 : i32, i32
  }
  func.func @transform_1(%arg0: i32) -> i32 {
    %c0_i32 = arith.constant 0 : i32
    return %arg0 : i32
  }
  func.func @transform_2(%arg0: i32) -> i32 {
    %c0_i32 = arith.constant 0 : i32
    return %arg0 : i32
  }
  func.func @transform_3(%arg0: i32) -> (i32, i32) {
    %c0_i32 = arith.constant 0 : i32
    %c0_i32_0 = arith.constant 0 : i32
    %c0_i32_1 = arith.constant 0 : i32
    return %c0_i32, %c0_i32_0 : i32, i32
  }
  func.func @transform_4(%arg0: i32) -> (i32, i32) {
    %c0_i32 = arith.constant 0 : i32
    %c0_i32_0 = arith.constant 0 : i32
    %c0_i32_1 = arith.constant 0 : i32
    return %c0_i32, %c0_i32_0 : i32, i32
  }
  func.func @transform_5(%arg0: i32) -> (i32, i32) {
    %c0_i32 = arith.constant 0 : i32
    %c0_i32_0 = arith.constant 0 : i32
    %c0_i32_1 = arith.constant 0 : i32
    return %c0_i32, %c0_i32_0 : i32, i32
  }
  func.func @transform_6(%arg0: i32) -> (i32, i32) {
    %c0_i32 = arith.constant 0 : i32
    %c0_i32_0 = arith.constant 0 : i32
    %c0_i32_1 = arith.constant 0 : i32
    return %c0_i32, %c0_i32_0 : i32, i32
  }
  func.func @transform_7(%arg0: i32) -> (i32, i32) {
    %add3A = arith.constant 0 : i32
    %add3A_0 = arith.addi %arg0, %add3A : i32
    %c0_i32 = arith.constant 0 : i32
    %c0_i32_1 = arith.constant 0 : i32
    return %add3A_0, %c0_i32 : i32, i32
  }
}

module attributes {stable_mosaic.version = 14 : i64} {
  func.func @_ln_chained(%arg0: i32, %arg1: memref<16384x768xf32, #tpu.memory_space<any>>, %arg2: memref<2048x768xf32, #tpu.memory_space<vmem>>, %arg3: memref<2048xi32, #tpu.memory_space<vmem>>, %arg4: memref<2048xi32, #tpu.memory_space<vmem>>, %arg5: memref<512x768xf32, #tpu.memory_space<vmem>>, %arg6: memref<8x768xf32, #tpu.memory_space<vmem>>, %arg7: memref<1x768xf32, #tpu.memory_space<vmem>>, %arg8: memref<1x768xf32, #tpu.memory_space<vmem>>, %arg9: memref<2048x768xf32, #tpu.memory_space<vmem>>) attributes {dimension_semantics = [#tpu.dimension_semantics<arbitrary>], iteration_bounds = array<i64: 4>, scalar_prefetch = 0 : i64, scratch_operands = 0 : i64, tpu.core_type = #tpu.core_type<tc>, window_params = [{}, {transform_indices = @transform_1, window_bounds = array<i64: 2048, 768>}, {transform_indices = @transform_2, window_bounds = array<i64: 2048>}, {transform_indices = @transform_3, window_bounds = array<i64: 2048>}, {pipeline_mode = #tpu.pipeline_mode<synchronous>, transform_indices = @transform_4, window_bounds = array<i64: 512, 768>}, {pipeline_mode = #tpu.pipeline_mode<synchronous>, transform_indices = @transform_5, window_bounds = array<i64: 8, 768>}, {pipeline_mode = #tpu.pipeline_mode<synchronous>, transform_indices = @transform_6, window_bounds = array<i64: 1, 768>}, {pipeline_mode = #tpu.pipeline_mode<synchronous>, transform_indices = @transform_7, window_bounds = array<i64: 1, 768>}, {transform_indices = @transform_8, window_bounds = array<i64: 2048, 768>}]} {
    %get3A = arith.constant 0 : index
    %get3A_0 = vector.load %arg3[%get3A] : memref<2048xi32, #tpu.memory_space<vmem>>, vector<2048xi32>
    %get3A_1 = arith.constant 0 : index
    %get3A_2 = vector.load %arg4[%get3A_1] : memref<2048xi32, #tpu.memory_space<vmem>>, vector<2048xi32>
    %iota3A = tpu.iota {dimensions = array<i32: 1>} : vector<2048x8xi32>
    %broadcast_in_dim3A = vector.shape_cast %get3A_0 : vector<2048xi32> to vector<2048x1xi32>
    %eq3A = vector.broadcast %broadcast_in_dim3A : vector<2048x1xi32> to vector<2048x8xi32>
    %eq3A_3 = arith.cmpi eq, %iota3A, %eq3A : vector<2048x8xi32>
    %broadcast_in_dim3A_4 = vector.shape_cast %get3A_2 : vector<2048xi32> to vector<2048x1xi32>
    %add3A = arith.constant 2 : i32
    %add3A_5 = vector.broadcast %add3A : i32 to vector<2048x1xi32>
    %add3A_6 = arith.addi %broadcast_in_dim3A_4, %add3A_5 : vector<2048x1xi32>
    %eq3A_7 = vector.broadcast %add3A_6 : vector<2048x1xi32> to vector<2048x8xi32>
    %eq3A_8 = arith.cmpi eq, %iota3A, %eq3A_7 : vector<2048x8xi32>
    %or3A = arith.ori %eq3A_3, %eq3A_8 : vector<2048x8xi1>
    %convert_element_type3A = arith.extui %or3A : vector<2048x8xi1> to vector<2048x8xi32>
    %convert_element_type3A_9 = arith.sitofp %convert_element_type3A : vector<2048x8xi32> to vector<2048x8xf32>
    %get3A_10 = arith.constant 0 : index
    %get3A_11 = arith.constant 0 : index
    %get3A_12 = vector.load %arg6[%get3A_10, %get3A_11] : memref<8x768xf32, #tpu.memory_space<vmem>>, vector<8x768xf32>
    %dot_general3A = arith.constant dense<0.000000e+00> : vector<2048x768xf32>
    %dot_general3A_13 = tpu.matmul %convert_element_type3A_9, %get3A_12, %dot_general3A {dimension_numbers = #tpu.dot_dimension_numbers<[1], [0], [0], [1], [0, 0, 1, 1], [], []>, transpose_lhs_hint = false} : vector<2048x8xf32>, vector<8x768xf32>, vector<2048x768xf32> -> vector<2048x768xf32>
    %get3A_14 = arith.constant 0 : index
    %get3A_15 = arith.constant 0 : index
    %get3A_16 = vector.load %arg5[%get3A_14, %get3A_15] : memref<512x768xf32, #tpu.memory_space<vmem>>, vector<512x768xf32>
    %get3A_17 = arith.constant 0 : index
    %get3A_18 = arith.constant 0 : index
    %get3A_19 = vector.load %arg2[%get3A_17, %get3A_18] : memref<2048x768xf32, #tpu.memory_space<vmem>>, vector<2048x768xf32>
    %add3A_20 = arith.addf %get3A_19, %dot_general3A_13 : vector<2048x768xf32>
    %reshape3A = vector.shape_cast %add3A_20 : vector<2048x768xf32> to vector<4x512x768xf32>
    %broadcast_in_dim3A_21 = vector.shape_cast %get3A_16 : vector<512x768xf32> to vector<1x512x768xf32>
    %add3A_22 = vector.broadcast %broadcast_in_dim3A_21 : vector<1x512x768xf32> to vector<4x512x768xf32>
    %add3A_23 = arith.addf %reshape3A, %add3A_22 : vector<4x512x768xf32>
    %reshape3A_24 = vector.shape_cast %add3A_23 : vector<4x512x768xf32> to vector<2048x768xf32>
    %reduce_sum3A = arith.constant dense<0.000000e+00> : vector<2048xf32>
    %reduce_sum3A_25 = vector.multi_reduction <add>, %reshape3A_24, %reduce_sum3A [1] : vector<2048x768xf32> to vector<2048xf32>
    %broadcast_in_dim3A_26 = vector.shape_cast %reduce_sum3A_25 : vector<2048xf32> to vector<2048x1xf32>
    %div3A = arith.constant 7.680000e+02 : f32
    %div3A_27 = vector.broadcast %div3A : f32 to vector<2048x1xf32>
    %div3A_28 = arith.divf %broadcast_in_dim3A_26, %div3A_27 : vector<2048x1xf32>
    %sub3A = vector.broadcast %div3A_28 : vector<2048x1xf32> to vector<2048x768xf32>
    %sub3A_29 = arith.subf %reshape3A_24, %sub3A : vector<2048x768xf32>
    %mul3A = arith.mulf %sub3A_29, %sub3A_29 : vector<2048x768xf32>
    %reduce_sum3A_30 = arith.constant dense<0.000000e+00> : vector<2048xf32>
    %reduce_sum3A_31 = vector.multi_reduction <add>, %mul3A, %reduce_sum3A_30 [1] : vector<2048x768xf32> to vector<2048xf32>
    %broadcast_in_dim3A_32 = vector.shape_cast %reduce_sum3A_31 : vector<2048xf32> to vector<2048x1xf32>
    %div3A_33 = arith.constant 7.680000e+02 : f32
    %div3A_34 = vector.broadcast %div3A_33 : f32 to vector<2048x1xf32>
    %div3A_35 = arith.divf %broadcast_in_dim3A_32, %div3A_34 : vector<2048x1xf32>
    %add3A_36 = arith.constant 9.99999996E-13 : f32
    %add3A_37 = vector.broadcast %add3A_36 : f32 to vector<2048x1xf32>
    %add3A_38 = arith.addf %div3A_35, %add3A_37 : vector<2048x1xf32>
    %rsqrt3A = math.rsqrt %add3A_38 : vector<2048x1xf32>
    %mul3A_39 = vector.broadcast %rsqrt3A : vector<2048x1xf32> to vector<2048x768xf32>
    %mul3A_40 = arith.mulf %sub3A_29, %mul3A_39 : vector<2048x768xf32>
    %get3A_41 = arith.constant 0 : index
    %get3A_42 = arith.constant 0 : index
    %get3A_43 = vector.load %arg7[%get3A_41, %get3A_42] : memref<1x768xf32, #tpu.memory_space<vmem>>, vector<1x768xf32>
    %mul3A_44 = vector.broadcast %get3A_43 : vector<1x768xf32> to vector<2048x768xf32>
    %mul3A_45 = arith.mulf %mul3A_40, %mul3A_44 : vector<2048x768xf32>
    %get3A_46 = arith.constant 0 : index
    %get3A_47 = arith.constant 0 : index
    %get3A_48 = vector.load %arg8[%get3A_46, %get3A_47] : memref<1x768xf32, #tpu.memory_space<vmem>>, vector<1x768xf32>
    %add3A_49 = vector.broadcast %get3A_48 : vector<1x768xf32> to vector<2048x768xf32>
    %add3A_50 = arith.addf %mul3A_45, %add3A_49 : vector<2048x768xf32>
    %swap3A = arith.constant 0 : index
    %swap3A_51 = arith.constant 0 : index
    %swap3A_52 = vector.load %arg9[%swap3A, %swap3A_51] : memref<2048x768xf32, #tpu.memory_space<vmem>>, vector<2048x768xf32>
    tpu.vector_store %arg9[%swap3A, %swap3A_51], %add3A_50 {strides = array<i32>} : memref<2048x768xf32, #tpu.memory_space<vmem>>, vector<2048x768xf32>,
    return
  }
  func.func @transform_1(%arg0: i32) -> (i32, i32) {
    %c0_i32 = arith.constant 0 : i32
    %c0_i32_0 = arith.constant 0 : i32
    return %arg0, %c0_i32 : i32, i32
  }
  func.func @transform_2(%arg0: i32) -> i32 {
    %c0_i32 = arith.constant 0 : i32
    return %arg0 : i32
  }
  func.func @transform_3(%arg0: i32) -> i32 {
    %c0_i32 = arith.constant 0 : i32
    return %arg0 : i32
  }
  func.func @transform_4(%arg0: i32) -> (i32, i32) {
    %c0_i32 = arith.constant 0 : i32
    %c0_i32_0 = arith.constant 0 : i32
    %c0_i32_1 = arith.constant 0 : i32
    return %c0_i32, %c0_i32_0 : i32, i32
  }
  func.func @transform_5(%arg0: i32) -> (i32, i32) {
    %c0_i32 = arith.constant 0 : i32
    %c0_i32_0 = arith.constant 0 : i32
    %c0_i32_1 = arith.constant 0 : i32
    return %c0_i32, %c0_i32_0 : i32, i32
  }
  func.func @transform_6(%arg0: i32) -> (i32, i32) {
    %c0_i32 = arith.constant 0 : i32
    %c0_i32_0 = arith.constant 0 : i32
    %c0_i32_1 = arith.constant 0 : i32
    return %c0_i32, %c0_i32_0 : i32, i32
  }
  func.func @transform_7(%arg0: i32) -> (i32, i32) {
    %c0_i32 = arith.constant 0 : i32
    %c0_i32_0 = arith.constant 0 : i32
    %c0_i32_1 = arith.constant 0 : i32
    return %c0_i32, %c0_i32_0 : i32, i32
  }
  func.func @transform_8(%arg0: i32) -> (i32, i32) {
    %add3A = arith.constant 4 : i32
    %add3A_0 = arith.addi %arg0, %add3A : i32
    %c0_i32 = arith.constant 0 : i32
    %c0_i32_1 = arith.constant 0 : i32
    return %add3A_0, %c0_i32 : i32, i32
  }
}

</mosaic_0001>

<sc_bundles>
// kernel: kernel.6.cloned.1.call-start
scs
__scs_entry_jumppad:
0x0: {  	(pc) =	sbr.rel $0x88, $3  }
0x1: {  	(tag) =	ssettag $0x0;
	lr =	simm.s32 $0x1  }
0x2: {  	[smem:$0x3F98] =	sst lr;
	_ =	strace $0xD0000000  }
0x3: {  	_ = 	snop  }
0x4: {  	_ = 	snop  }
0x5: {  	_ = 	snop  }
0x6: {  	_ = 	snop  }
0x7: {  	_ = 	snop  }
__scs_overlays_trampoline_lowered:
0x8: {  	[smem:$0x3FA7] =	sst s0  }
0x9: {  	[smem:$0x3FA8] =	sst s1  }
0xa: {  	[smem:$0x3FA9] =	sst s2  }
0xb: {  	[smem:$0x3FAA] =	sst s3  }
0xc: {  	[smem:$0x3FAB] =	sst s4  }
0xd: {  	[smem:$0x3FAC] =	sst s5  }
0xe: {  	[smem:$0x3FAD] =	sst s6  }
0xf: {  	[smem:$0x3FAE] =	sst s7  }
0x10: {  	[smem:$0x3FAF] =	sst s8  }
0x11: {  	[smem:$0x3FB0] =	sst s9;
	s0 =	simm.s32 @!p0 $0x0  }
0x12: {  	s1 =	sld [smem:$0x3F96];
	s0 =	simm.s32 @p0 $0x1  }
0x13: {  	[smem:$0x3FB1] =	sst s0;
	s0 =	simm.s32 @!p1 $0x0  }
0x14: {  	s2 =	sld [smem:$0x3F95];
	s0 =	simm.s32 @p1 $0x1  }
0x15: {  	[smem:$0x3FB2] =	sst s0;
	s0 =	simm.s32 @!p2 $0x0  }
0x16: {  	s3 =	sld [smem:$0x3FDB];
	s0 =	simm.s32 @p2 $0x1  }
0x17: {  	s4 =	simm.s32 $0x1BF5;
	[smem:$0x3FB4] =	sst s0  }
0x18: {  	s0 =	sld [smem:$0x3F97];
	_ =	swait.ge [sflag:s4], $0x0  }
0x19: {  	s7 =	sld [smem:$0x3F98]  }
0x1a: {  	s8 =	sadd.s32 $0xFFFFE003, lr  }
0x1b: {  	s9 =	sadd.s32 $0xFFFFFEF7, lr;
	s5 =	simm.s32 $0xFFFFFFFF;
	p2 =	slt.u32 s8, $0xFFFFF086  }
0x1c: {  	p1 =	slt.u32 s9, $0xF7A;
	s5 =	simm.s32 @!p2 $0x0  }
0x1d: {  	s5 =	simm.s32 @p1 $0x1;
	p0 =	seq.s32 s7, s2  }
0x1e: {  	s7 =	smul.u32 @!p0 $0xF7A, s2;
	p2 =	seq.s32 @!p0 s5, $0x0  }
0x1f: {  	s9 =	smul.u32 $0xF7A, s1;
	s8 =	simm.s32 @!p0 $0x1BF5;
	p2 =	por !p2, p0  }
0x20: {  	[sflag:s8] =	ssyncset.s32 @!p0 $0xFFFFF086;
	s6 =	sadd.s32 @!p0 s3, s7;
	s7 =	simm.s32 @!p0 $0x108  }
0x21: {  	s3 =	sadd.s32 s3, s9;
	s6 =	sadd.s32 @!p0 $0x88, s6;
	s7 =	simm.s32 @p2 $0x1082  }
0x22: {  	[simem:s7], [sflag:s8] =	dma.local @!p0 [hbm:s6], $0xF7A  }
0x23: {  	s9 =	sor.u32 $0xD0000000, s2;
	s6 =	simm.s32 $0x108;
	_ =	swait.ge @!p0 [sflag:s8], $0x0  }
0x24: {  	s3 =	sadd.s32 $0x88, s3;
	s6 =	simm.s32 @!p1 $0x1082;
	[sflag:s4] =	ssyncset.s32 $0xFFFFF086  }
0x25: {  	[simem:s6], [sflag:s4] =	dma.local [hbm:s3], $0xF7A  }
0x26: {  	[smem:$0x3F98] =	sst s1;
	(tag) =	ssettag s2;
	_ =	strace s9  }
0x27: {  	s1 =	sld [smem:$0x3FA8]  }
0x28: {  	s2 =	sld [smem:$0x3FA9]  }
0x29: {  	s4 =	sld [smem:$0x3FAB]  }
0x2a: {  	p0 =	seq.s32 s5, $0x0;
	s5 =	sld [smem:$0x3FAC]  }
0x2b: {  	s6 =	sld [smem:$0x3FAD]  }
0x2c: {  	s7 =	sld [smem:$0x3FAE]  }
0x2d: {  	s3 =	simm.s32 $0x108;
	s8 =	sld [smem:$0x3FAF]  }
0x2e: {  	s3 =	simm.s32 @!p0 $0x1082;
	s9 =	sld [smem:$0x3FB0]  }
0x2f: {  	lr =	sadd.s32 s0, s3;
	s0 =	sld [smem:$0x3FA7]  }
0x30: {  	s3 =	sld [smem:$0x3FAA]  }
0x31: {  	[smem:$0x3FB3] =	sst s10  }
0x32: {  	s10 =	sld [smem:$0x3FB1];
	_ =	sdelay $0x3  }
0x33: {  	p0 =	seq.s32 s10, $0x1;
	s10 =	sld [smem:$0x3FB3];
	_ =	sdelay $0x3  }
0x34: {  	[smem:$0x3FB3] =	sst s10  }
0x35: {  	s10 =	sld [smem:$0x3FB2];
	_ =	sdelay $0x3  }
0x36: {  	p1 =	seq.s32 s10, $0x1;
	s10 =	sld [smem:$0x3FB3];
	_ =	sdelay $0x3  }
0x37: {  	[smem:$0x3FB3] =	sst s10  }
0x38: {  	s10 =	sld [smem:$0x3FB4]  }
0x39: {  	_ = 	snop;
	(pc) =	sbr.ind lr, $3  }
0x3a: {  	_ = 	snop  }
0x3b: {  	_ = 	snop  }
0x3c: {  	p2 =	seq.s32 s10, $0x1;
	s10 =	sld [smem:$0x3FB3]  }
0x3d: {  	_ =	shalt  }
0x3e: {  	_ =	shalt  }
0x3f: {  	_ =	shalt  }
0x40: {  	_ =	shalt  }
0x41: {  	_ =	shalt  }
0x42: {  	_ =	shalt  }
0x43: {  	_ =	shalt  }
0x44: {  	_ =	shalt  }
0x45: {  	_ =	shalt  }
0x46: {  	_ =	shalt  }
0x47: {  	_ =	shalt  }
0x48: {  	_ =	shalt  }
0x49: {  	_ =	shalt  }
0x4a: {  	_ =	shalt  }
0x4b: {  	_ =	shalt  }
0x4c: {  	_ =	shalt  }
0x4d: {  	_ =	shalt  }
0x4e: {  	_ =	shalt  }
0x4f: {  	_ =	shalt  }
0x50: {  	_ =	shalt  }
0x51: {  	_ =	shalt  }
0x52: {  	_ =	shalt  }
0x53: {  	_ =	shalt  }
0x54: {  	_ =	shalt  }
0x55: {  	_ =	shalt  }
0x56: {  	_ =	shalt  }
0x57: {  	_ =	shalt  }
0x58: {  	_ =	shalt  }
0x59: {  	_ =	shalt  }
0x5a: {  	_ =	shalt  }
0x5b: {  	_ =	shalt  }
0x5c: {  	_ =	shalt  }
0x5d: {  	_ =	shalt  }
0x5e: {  	_ =	shalt  }
0x5f: {  	_ =	shalt  }
0x60: {  	_ =	shalt  }
0x61: {  	_ =	shalt  }
0x62: {  	_ =	shalt  }
0x63: {  	_ =	shalt  }
0x64: {  	_ =	shalt  }
0x65: {  	_ =	shalt  }
0x66: {  	_ =	shalt  }
0x67: {  	_ =	shalt  }
0x68: {  	_ =	shalt  }
0x69: {  	_ =	shalt  }
0x6a: {  	_ =	shalt  }
0x6b: {  	_ =	shalt  }
0x6c: {  	_ =	shalt  }
0x6d: {  	_ =	shalt  }
0x6e: {  	_ =	shalt  }
0x6f: {  	_ =	shalt  }
0x70: {  	_ =	shalt  }
0x71: {  	_ =	shalt  }
0x72: {  	_ =	shalt  }
0x73: {  	_ =	shalt  }
0x74: {  	_ =	shalt  }
0x75: {  	_ =	shalt  }
0x76: {  	_ =	shalt  }
0x77: {  	_ =	shalt  }
0x78: {  	_ =	shalt  }
0x79: {  	_ =	shalt  }
0x7a: {  	_ =	shalt  }
0x7b: {  	_ =	shalt  }
0x7c: {  	_ =	shalt  }
0x7d: {  	_ =	shalt  }
0x7e: {  	_ =	shalt  }
0x7f: {  	_ =	shalt  }
0x80: {  	_ =	shalt  }
0x81: {  	_ =	shalt  }
0x82: {  	_ =	shalt  }
0x83: {  	_ =	shalt  }
0x84: {  	_ =	shalt  }
0x85: {  	_ =	shalt  }
0x86: {  	_ =	shalt  }
0x87: {  	_ =	shalt  }
.Lfunc_end0:
.L_simem_size_0:
called_computation_lowered:
.L_overlay_start_0:
0x88: {  	s2 =	sld [smem:$0x3FD9]  }
0x89: {  	s3 =	sld [smem:$0x3FFE];
	_ =	sdelay $0x1  }
0x8a: {  	s1 =	srdreg.scid  }
0x8b: {  	s0 =	sand.u32 $0x1, s1  }
0x8c: {  	s17 =	sshll.u32 s0, $0xA;
	s2 =	sadd.s32 s3, s2  }
0x8d: {  	s2 =	sadd.s32 s2, s17  }
0x8e: {  	[smem:$0x3FBF] =	sst s2  }
0x8f: {  	_ = 	snop  }
0x90: {  	s2 =	sld [smem:$0x3FC6]  }
0x91: {  	s18 =	sld [smem:$0x3FD0];
	(tm) =	ssettm $0x1  }
0x92: {  	s4 =	sld [smem:$0x3FFB];
	_ =	sdelay $0x3  }
0x93: {  	_ =	strace s4  }
0x94: {  	s4 =	sld [smem:$0x3FFC];
	_ =	sdelay $0x3  }
0x95: {  	_ =	strace s4  }
0x96: {  	s4 =	sld [smem:$0x3FFD];
	_ =	sdelay $0x3  }
0x97: {  	_ =	strace s4  }
0x98: {  	_ =	strace $0x8FFFFFFF  }
0x99: {  	s19 =	sld [smem:$0x3FDB];
	_ =	sdelay $0x1  }
0x9a: {  	s5 =	simm.s32 $_scs_section_size  }
0x9b: {  	s6 =	simm.s32 $_size__tile_overlayer_lowered;
	s7 =	simm.s32 $_tile_overlayer_lowered  }
0x9c: {  	s22 =	simm.s32 $0x1BFF;
	s21 =	sshll.u32 s7, $0x1;
	s4 =	sadd.s32 s5, s19  }
0x9d: {  	s8 =	simm.s32 $0x0;
	s20 =	sshll.u32 s6, $0x1;
	s6 =	sadd.s32 s21, s4  }
0x9e: {  	[timem:s8], [sflag:s22] =	dma.local [hbm:s6], s20  }
0x9f: {  	_ =	swait.ge [sflag:s22], s20  }
0xa0: {  	s5 =	ssub.s32 $0x0, s20;
	[sflag:s22] =	ssyncset.done $0x0  }
0xa1: {  	[sflag:s22] =	ssyncadd.s32 s5;
	_ =	sdelay $0x1  }
0xa2: {  	s23 =	simm.s32 $0x1B8B  }
0xa3: {  	_ =	swait.ge [sflag:s23], $0x1  }
0xa4: {  	[sflag:s23] =	ssyncset.done $0x0  }
0xa5: {  	s25 =	simm.s32 $0x1B8E;
	s24 =	sld [smem:$0x3FFE];
	[sflag:s23] =	ssyncadd.s32 $0xFFFFFFFF  }
0xa6: {  	s26 =	simm.s32 $execute0_lowered;
	[smem:$0x3FD2] =	sst s25  }
0xa7: {  	s6 =	sshll.u32 s26, $0x1;
	_ =	strace $0x80000046;
	[dreg:$0x1] =	wrdreg $0xFFFFFFFF  }
0xa8: {  	s28 =	simm.s32 $_size_execute0_lowered;
	s4 =	sadd.s32 s4, s6;
	[dreg:$0x0] =	wrdreg $0x0  }
0xa9: {  	s6 =	sshll.u32 s28, $0x1;
	[dreg:$0x2] =	wrdreg s4  }
0xaa: {  	[dreg:$0x3] =	wrdreg s6  }
0xab: {  	[dreg:$0x4] =	wrdreg $0xC0  }
0xac: {  	_ =	task [dreg:s8], $0x5FFFF  }
0xad: {  	[dreg:$0x1] =	wrdreg $0xFFFFFFFF  }
0xae: {  	[dreg:$0x0] =	wrdreg $0x60  }
0xaf: {  	[dreg:$0x2] =	wrdreg s18  }
0xb0: {  	[dreg:$0x3] =	wrdreg s2  }
0xb1: {  	[dreg:$0x4] =	wrdreg s24  }
0xb2: {  	[dreg:$0x5] =	wrdreg $0x9  }
0xb3: {  	_ =	task.clear_ibuf [dreg:s8], $0x6FFFF;
	_ =	strace $0x90000046  }
0xb4: {  	s29 =	simm.s32 $0x9;
	_ =	strace $0x80000048  }
0xb5: {  	_ =	swait.ge [sflag:s29], $0x1  }
0xb6: {  	[sflag:s29] =	ssyncadd.s32 $0xFFFFFFFF  }
0xb7: {  	_ =	strace $0x90000048  }
0xb8: {  	_ =	sfence  }
0xb9: {  	s30 =	sld [smem:$0x0];
	_ =	sdelay $0x2  }
0xba: {  	s31 =	sshll.u32 s1, $0xD;
	s1 =	sshrl.u32 s1, $0x2  }
0xbb: {  	s3 =	sand.u32 $0x4000, s31;
	s1 =	sadd.s32 s1, s30  }
0xbc: {  	s0 =	sor.u32 s3, s0;
	s1 =	sshll.u32 s1, $0x11  }
0xbd: {  	s0 =	sor.u32 s1, s0  }
0xbe: {  	s0 =	sadd.s32 $0x8F2B, s0  }
0xbf: {  	[sflag:s0] =	ssyncadd.remote.s32 $0x1  }
0xc0: {  	_ =	sfence.sel $0xFFFF  }
0xc1: {  	[dreg:$0x0] =	wrdreg $0xFFFFFFFF;
	(pc) =	sbr.abs _section_cstart, $3  }
0xc2: {  	[dreg:$0x1] =	wrdreg $0xFFFFFFFF  }
0xc3: {  	_ =	task.clear_ibuf [dreg:s8], $0x2FFFF;
	_ =	strace $0x9FFFFFFF  }
0xc4: {  	(tm) =	ssettm $0x7FFFFFFF  }
0xc5: {  	_ =	shalt  }
tec
execute0_lowered:
.L_overlay_start_1:
0x0: {  	(tag) =	ssettag $0x1  }
0x1: {  	s0 =	rddreg [dreg:$0x0]  }
0x2: {  	s1 =	rddreg [dreg:$0x1]  }
0x3: {  	s2 =	rddreg [dreg:$0x2];
	s4 =	srdreg.scid;
	s3 =	simm.s32 $0x0  }
0x4: {  	s5 =	stileid.u32;
	s12 =	simm.s32 $0x100;
	s13 =	simm.s32 $0xC100  }
0x5: {  	s22 =	simm.s32 $0x10900;
	s23 =	simm.s32 $0x11100;
	s24 =	simm.s32 $0x11900  }
0x6: {  	s28 =	simm.s32 $0x13100;
	s29 =	simm.s32 $0x13900;
	s30 =	simm.s32 $0x14100  }
0x7: {  	s31 =	simm.s32 $0x14900;
	s9 =	simm.s32 $0x16900;
	s11 =	simm.s32 $0x17100  }
0x8: {  	s14 =	simm.s32 $0x17900;
	s15 =	simm.s32 $0x1;
	s16 =	simm.s32 $0x2  }
0x9: {  	s17 =	simm.s32 $0x3;
	s18 =	simm.s32 $0x4;
	s20 =	simm.s32 $0x0  }
0xa: {  	s4 =	sand.u32 $0x1, s4;
	[smem:$0x7FF] =	sst s3;
	s5 =	sshll.u32 s5, $0x9  }
0xb: {  	s10 =	sadd.s32 $0x3000, s2;
	s6 =	sshll.u32 s4, $0x8;
	_ =	strace $0x80000047  }
0xc: {  	s7 =	ssub.s32 $0x2, s4;
	s4 =	sor.u32 s6, s5;
	s5 =	sadd.s32 $0x1800, s2  }
.Ltmp0:
0xd: {  	s25 =	sshrl.u32 s7, $0x1;
	s2 =	simm.s32 $0x15900;
	(pc) =	sbr.rel .LBB2_1-.Ltmp0, $4  }
0xe: {  	s8 =	sshrl.u32 s4, $0x3;
	s6 =	ssub.s32 s7, s25;
	s7 =	sadd.s32 $0x100, s1  }
0xf: {  	v2 =	vlaneseq.u32;
	s25 =	simm.s32 $0x12100;
	s0 =	sadd.s32 s0, s8;
	s8 =	sadd.s32 $0x200, s1  }
0x10: {  	vm0 =	vmmov $0xffff;
	v1 =	vshrl.u32 v2, $0x3;
	s26 =	smax.u32 s6, $0x1;
	s6 =	simm.s32 $0x16100;
	[dreg:$0x4] =	wrdreg s0  }
0x11: {  	v0 =	vand.u32 $0x7, v2;
	v2 =	vor.u32 $0x8, v2;
	v1 =	vmul.u32 $0x8, v1;
	[dreg:$0x5] =	wrdreg s26;
	s26 =	simm.s32 $0x12900;
	s0 =	simm.s32 $0x15100  }
.LBB2_4:
0x12: {  	_ =	swait.ge [sflag:s18], $0xC000  }
0x13: {  	s20 =	rddreg [dreg:$0x6]  }
0x14: {  	s19 =	rddreg [dreg:$0x5];
	s20 =	sadd.s32 $0x1, s20  }
0x15: {  	p0 =	sne.s32 s20, s19  }
.Ltmp1:
0x16: {  	_ = 	snop;
	(pc) =	sbr.rel @!p0 .LBB2_5-.Ltmp1, $3  }
0x17: {  	_ =	sdelay $0x1  }
0x18: {  	[sflag:s18] =	ssyncset.done $0x0  }
0x19: {  	[sflag:s18] =	ssyncadd.s32 $0xFFFF4000  }
.LBB2_1:
0x1a: {  	[dreg:$0x6] =	wrdreg s20  }
0x1b: {  	s19 =	rddreg [dreg:$0x4];
	s20 =	simm.s32 $0x5  }
0x1c: {  	[tilespmem:s3], [sflag:$0x5] =	stream.linear.gather [hbm4b:s19+s3], $0x100, $0x38;
	[tilespmem:$0x18100] =	vst v63  }
0x1d: {  	_ =	swait.ge [sflag:s20], $0x100  }
0x1e: {  	[sflag:s20] =	ssyncset.done $0x0  }
0x1f: {  	[sflag:s20] =	ssyncadd.s32 $0xFFFFFF00  }
0x20: {  	v3 =	vld [tilespmem:$0x0];
	_ =	sdelay $0x4  }
0x21: {  	v4 =	vshrl.u32 v3, $0x3  }
0x22: {  	v4 =	vmul.u32 $0x30, v4  }
0x23: {  	v3 =	vand.u32 $0x7, v3  }
0x24: {  	v3 =	vor.u32 v3, v4  }
0x25: {  	v4 =	vperm.xlane v3, v0;
	_ =	sdelay $0x1  }
0x26: {  	v4 =	vadd.s32 v1, v4;
	_ =	sdelay $0x3  }
0x27: {  	v3 =	vperm.xlane v3, v2  }
0x28: {  	[tilespmem:s12], [sflag:$0x1] =	stream.indirect_vreg.gather [hbm4b:s1+s3], $0x80, v4, vm0, $0xb8;
	[tilespmem:$0x18100] =	vst v63  }
0x29: {  	s21 =	simm.s32 $0x900;
	v3 =	vadd.s32 v1, v3  }
0x2a: {  	[tilespmem:s21], [sflag:$0x1] =	stream.indirect_vreg.gather [hbm4b:s7+s3], $0x80, v4, vm0, $0xb8;
	[tilespmem:$0x18100] =	vst v63  }
0x2b: {  	s20 =	simm.s32 $0x1100  }
0x2c: {  	[tilespmem:s20], [sflag:$0x1] =	stream.indirect_vreg.gather [hbm4b:s8+s3], $0x80, v4, vm0, $0xb8;
	[tilespmem:$0x18100] =	vst v63  }
0x2d: {  	s21 =	simm.s32 $0x1900  }
0x2e: {  	[tilespmem:s21], [sflag:$0x1] =	stream.indirect_vreg.gather [hbm4b:s1+s3], $0x80, v3, vm0, $0xb8;
	[tilespmem:$0x18100] =	vst v63  }
0x2f: {  	s20 =	simm.s32 $0x2100  }
0x30: {  	[tilespmem:s20], [sflag:$0x1] =	stream.indirect_vreg.gather [hbm4b:s7+s3], $0x80, v3, vm0, $0xb8;
	[tilespmem:$0x18100] =	vst v63  }
0x31: {  	s21 =	simm.s32 $0x2900  }
0x32: {  	[tilespmem:s21], [sflag:$0x1] =	stream.indirect_vreg.gather [hbm4b:s8+s3], $0x80, v3, vm0, $0xb8;
	[tilespmem:$0x18100] =	vst v63  }
0x33: {  	v3 =	vld [tilespmem:$0x10];
	_ =	sdelay $0x4  }
0x34: {  	v59 =	vshrl.u32 v3, $0x3  }
0x35: {  	v4 =	vmul.u32 $0x30, v59  }
0x36: {  	v3 =	vand.u32 $0x7, v3  }
0x37: {  	v3 =	vor.u32 v3, v4  }
0x38: {  	v4 =	vperm.xlane v3, v0;
	_ =	sdelay $0x1  }
0x39: {  	v4 =	vadd.s32 v1, v4;
	_ =	sdelay $0x3  }
0x3a: {  	s20 =	simm.s32 $0x3100;
	v3 =	vperm.xlane v3, v2  }
0x3b: {  	[tilespmem:s20], [sflag:$0x1] =	stream.indirect_vreg.gather [hbm4b:s1+s3], $0x80, v4, vm0, $0xb8;
	[tilespmem:$0x18100] =	vst v63  }
0x3c: {  	s21 =	simm.s32 $0x3900;
	v3 =	vadd.s32 v1, v3  }
0x3d: {  	[tilespmem:s21], [sflag:$0x1] =	stream.indirect_vreg.gather [hbm4b:s7+s3], $0x80, v4, vm0, $0xb8;
	[tilespmem:$0x18100] =	vst v63  }
0x3e: {  	s20 =	simm.s32 $0x4100  }
0x3f: {  	[tilespmem:s20], [sflag:$0x1] =	stream.indirect_vreg.gather [hbm4b:s8+s3], $0x80, v4, vm0, $0xb8;
	[tilespmem:$0x18100] =	vst v63  }
0x40: {  	s21 =	simm.s32 $0x4900  }
0x41: {  	[tilespmem:s21], [sflag:$0x1] =	stream.indirect_vreg.gather [hbm4b:s1+s3], $0x80, v3, vm0, $0xb8;
	[tilespmem:$0x18100] =	vst v63  }
0x42: {  	s20 =	simm.s32 $0x5100  }
0x43: {  	[tilespmem:s20], [sflag:$0x1] =	stream.indirect_vreg.gather [hbm4b:s7+s3], $0x80, v3, vm0, $0xb8;
	[tilespmem:$0x18100] =	vst v63  }
0x44: {  	s21 =	simm.s32 $0x5900  }
0x45: {  	[tilespmem:s21], [sflag:$0x1] =	stream.indirect_vreg.gather [hbm4b:s8+s3], $0x80, v3, vm0, $0xb8;
	[tilespmem:$0x18100] =	vst v63  }
0x46: {  	v3 =	vld [tilespmem:$0x20];
	_ =	sdelay $0x4  }
0x47: {  	v60 =	vshrl.u32 v3, $0x3  }
0x48: {  	v4 =	vmul.u32 $0x30, v60  }
0x49: {  	v3 =	vand.u32 $0x7, v3  }
0x4a: {  	v3 =	vor.u32 v3, v4  }
0x4b: {  	v4 =	vperm.xlane v3, v0;
	_ =	sdelay $0x1  }
0x4c: {  	v4 =	vadd.s32 v1, v4;
	_ =	sdelay $0x3  }
0x4d: {  	s20 =	simm.s32 $0x6100;
	v3 =	vperm.xlane v3, v2  }
0x4e: {  	[tilespmem:s20], [sflag:$0x1] =	stream.indirect_vreg.gather [hbm4b:s1+s3], $0x80, v4, vm0, $0xb8;
	[tilespmem:$0x18100] =	vst v63  }
0x4f: {  	s21 =	simm.s32 $0x6900;
	v3 =	vadd.s32 v1, v3  }
0x50: {  	[tilespmem:s21], [sflag:$0x1] =	stream.indirect_vreg.gather [hbm4b:s7+s3], $0x80, v4, vm0, $0xb8;
	[tilespmem:$0x18100] =	vst v63  }
0x51: {  	s20 =	simm.s32 $0x7100  }
0x52: {  	[tilespmem:s20], [sflag:$0x1] =	stream.indirect_vreg.gather [hbm4b:s8+s3], $0x80, v4, vm0, $0xb8;
	[tilespmem:$0x18100] =	vst v63  }
0x53: {  	s21 =	simm.s32 $0x7900  }
0x54: {  	[tilespmem:s21], [sflag:$0x1] =	stream.indirect_vreg.gather [hbm4b:s1+s3], $0x80, v3, vm0, $0xb8;
	[tilespmem:$0x18100] =	vst v63  }
0x55: {  	s20 =	simm.s32 $0x8100  }
0x56: {  	[tilespmem:s20], [sflag:$0x1] =	stream.indirect_vreg.gather [hbm4b:s7+s3], $0x80, v3, vm0, $0xb8;
	[tilespmem:$0x18100] =	vst v63  }
0x57: {  	s21 =	simm.s32 $0x8900  }
0x58: {  	[tilespmem:s21], [sflag:$0x1] =	stream.indirect_vreg.gather [hbm4b:s8+s3], $0x80, v3, vm0, $0xb8;
	[tilespmem:$0x18100] =	vst v63  }
0x59: {  	v3 =	vld [tilespmem:$0x30];
	_ =	sdelay $0x4  }
0x5a: {  	v61 =	vshrl.u32 v3, $0x3  }
0x5b: {  	v4 =	vmul.u32 $0x30, v61  }
0x5c: {  	v3 =	vand.u32 $0x7, v3  }
0x5d: {  	v3 =	vor.u32 v3, v4  }
0x5e: {  	v4 =	vperm.xlane v3, v0;
	_ =	sdelay $0x1  }
0x5f: {  	v4 =	vadd.s32 v1, v4;
	_ =	sdelay $0x3  }
0x60: {  	s20 =	simm.s32 $0x9100;
	v3 =	vperm.xlane v3, v2  }
0x61: {  	[tilespmem:s20], [sflag:$0x1] =	stream.indirect_vreg.gather [hbm4b:s1+s3], $0x80, v4, vm0, $0xb8;
	[tilespmem:$0x18100] =	vst v63  }
0x62: {  	s21 =	simm.s32 $0x9900;
	v3 =	vadd.s32 v1, v3  }
0x63: {  	[tilespmem:s21], [sflag:$0x1] =	stream.indirect_vreg.gather [hbm4b:s7+s3], $0x80, v4, vm0, $0xb8;
	[tilespmem:$0x18100] =	vst v63  }
0x64: {  	s20 =	simm.s32 $0xA100  }
0x65: {  	[tilespmem:s20], [sflag:$0x1] =	stream.indirect_vreg.gather [hbm4b:s8+s3], $0x80, v4, vm0, $0xb8;
	[tilespmem:$0x18100] =	vst v63  }
0x66: {  	s21 =	simm.s32 $0xA900  }
0x67: {  	[tilespmem:s21], [sflag:$0x1] =	stream.indirect_vreg.gather [hbm4b:s1+s3], $0x80, v3, vm0, $0xb8;
	[tilespmem:$0x18100] =	vst v63  }
0x68: {  	s20 =	simm.s32 $0xB100  }
0x69: {  	[tilespmem:s20], [sflag:$0x1] =	stream.indirect_vreg.gather [hbm4b:s7+s3], $0x80, v3, vm0, $0xb8;
	[tilespmem:$0x18100] =	vst v63  }
0x6a: {  	s21 =	simm.s32 $0xB900  }
0x6b: {  	[tilespmem:s21], [sflag:$0x1] =	stream.indirect_vreg.gather [hbm4b:s8+s3], $0x80, v3, vm0, $0xb8;
	[tilespmem:$0x18100] =	vst v63  }
0x6c: {  	v3 =	vld [tilespmem:$0x40];
	_ =	sdelay $0x4  }
0x6d: {  	v62 =	vshrl.u32 v3, $0x3  }
0x6e: {  	v4 =	vmul.u32 $0x30, v62  }
0x6f: {  	v3 =	vand.u32 $0x7, v3  }
0x70: {  	v3 =	vor.u32 v3, v4  }
0x71: {  	v4 =	vperm.xlane v3, v0;
	_ =	sdelay $0x1  }
0x72: {  	v4 =	vadd.s32 v1, v4;
	_ =	sdelay $0x3  }
0x73: {  	v3 =	vperm.xlane v3, v2  }
0x74: {  	[tilespmem:s13], [sflag:$0x2] =	stream.indirect_vreg.gather [hbm4b:s1+s3], $0x80, v4, vm0, $0xb8;
	[tilespmem:$0x18100] =	vst v63  }
0x75: {  	s20 =	simm.s32 $0xC900;
	v3 =	vadd.s32 v1, v3  }
0x76: {  	[tilespmem:s20], [sflag:$0x2] =	stream.indirect_vreg.gather [hbm4b:s7+s3], $0x80, v4, vm0, $0xb8;
	[tilespmem:$0x18100] =	vst v63  }
0x77: {  	s21 =	simm.s32 $0xD100  }
0x78: {  	[tilespmem:s21], [sflag:$0x2] =	stream.indirect_vreg.gather [hbm4b:s8+s3], $0x80, v4, vm0, $0xb8;
	[tilespmem:$0x18100] =	vst v63  }
0x79: {  	s20 =	simm.s32 $0xD900  }
0x7a: {  	[tilespmem:s20], [sflag:$0x2] =	stream.indirect_vreg.gather [hbm4b:s1+s3], $0x80, v3, vm0, $0xb8;
	[tilespmem:$0x18100] =	vst v63  }
0x7b: {  	s21 =	simm.s32 $0xE100  }
0x7c: {  	[tilespmem:s21], [sflag:$0x2] =	stream.indirect_vreg.gather [hbm4b:s7+s3], $0x80, v3, vm0, $0xb8;
	[tilespmem:$0x18100] =	vst v63  }
0x7d: {  	s20 =	simm.s32 $0xE900  }
0x7e: {  	[tilespmem:s20], [sflag:$0x2] =	stream.indirect_vreg.gather [hbm4b:s8+s3], $0x80, v3, vm0, $0xb8;
	[tilespmem:$0x18100] =	vst v63  }
0x7f: {  	v3 =	vld [tilespmem:$0x50];
	_ =	sdelay $0x4  }
0x80: {  	v63 =	vshrl.u32 v3, $0x3  }
0x81: {  	v4 =	vmul.u32 $0x30, v63  }
0x82: {  	v3 =	vand.u32 $0x7, v3  }
0x83: {  	v3 =	vor.u32 v3, v4  }
0x84: {  	v4 =	vperm.xlane v3, v0;
	_ =	sdelay $0x1  }
0x85: {  	v4 =	vadd.s32 v1, v4;
	_ =	sdelay $0x3  }
0x86: {  	s21 =	simm.s32 $0xF100;
	v3 =	vperm.xlane v3, v2  }
0x87: {  	[tilespmem:s21], [sflag:$0x2] =	stream.indirect_vreg.gather [hbm4b:s1+s3], $0x80, v4, vm0, $0xb8;
	[tilespmem:$0x18100] =	vst v63  }
0x88: {  	s20 =	simm.s32 $0xF900;
	v3 =	vadd.s32 v1, v3  }
0x89: {  	[tilespmem:s20], [sflag:$0x2] =	stream.indirect_vreg.gather [hbm4b:s7+s3], $0x80, v4, vm0, $0xb8;
	[tilespmem:$0x18100] =	vst v63  }
0x8a: {  	s21 =	simm.s32 $0x10100  }
0x8b: {  	[tilespmem:s21], [sflag:$0x2] =	stream.indirect_vreg.gather [hbm4b:s8+s3], $0x80, v4, vm0, $0xb8;
	[tilespmem:$0x18100] =	vst v63  }
0x8c: {  	_ = 	snop  }
0x8d: {  	[tilespmem:s22], [sflag:$0x2] =	stream.indirect_vreg.gather [hbm4b:s1+s3], $0x80, v3, vm0, $0xb8;
	[tilespmem:$0x18100] =	vst v63  }
0x8e: {  	p0 =	por $0x1, $0x1  }
0x8f: {  	[tilespmem:s23], [sflag:$0x2] =	stream.indirect_vreg.gather [hbm4b:s7+s3], $0x80, v3, vm0, $0xb8;
	[tilespmem:$0x18100] =	vst v63  }
0x90: {  	s19 =	simm.s32 $0x0;
	s20 =	simm.s32 $0x70;
	s21 =	simm.s32 $0x60  }
0x91: {  	[tilespmem:s24], [sflag:$0x2] =	stream.indirect_vreg.gather [hbm4b:s8+s3], $0x80, v3, vm0, $0xb8;
	[tilespmem:$0x18100] =	vst v63  }
.LBB2_2:
0x92: {  	v3 =	vld [tilespmem:s21+$0x0];
	_ =	sdelay $0x4  }
0x93: {  	v4 =	vshrl.u32 v3, $0x3  }
0x94: {  	v4 =	vmul.u32 $0x30, v4  }
0x95: {  	v3 =	vand.u32 $0x7, v3  }
0x96: {  	v3 =	vor.u32 v3, v4  }
0x97: {  	v4 =	vperm.xlane v3, v0;
	_ =	sdelay $0x1  }
0x98: {  	v4 =	vadd.s32 v1, v4;
	_ =	sdelay $0x3  }
0x99: {  	v3 =	vperm.xlane v3, v2  }
0x9a: {  	[tilespmem:s25], [sflag:$0x2] =	stream.indirect_vreg.gather [hbm4b:s1+s3], $0x80, v4, vm0, $0xb8;
	[tilespmem:$0x18100] =	vst v63  }
0x9b: {  	v3 =	vadd.s32 v1, v3  }
0x9c: {  	[tilespmem:s26], [sflag:$0x2] =	stream.indirect_vreg.gather [hbm4b:s7+s3], $0x80, v4, vm0, $0xb8;
	[tilespmem:$0x18100] =	vst v63  }
0x9d: {  	_ = 	snop  }
0x9e: {  	[tilespmem:s28], [sflag:$0x2] =	stream.indirect_vreg.gather [hbm4b:s8+s3], $0x80, v4, vm0, $0xb8;
	[tilespmem:$0x18100] =	vst v63  }
0x9f: {  	_ = 	snop  }
0xa0: {  	[tilespmem:s29], [sflag:$0x2] =	stream.indirect_vreg.gather [hbm4b:s1+s3], $0x80, v3, vm0, $0xb8;
	[tilespmem:$0x18100] =	vst v63  }
0xa1: {  	_ = 	snop  }
0xa2: {  	[tilespmem:s30], [sflag:$0x2] =	stream.indirect_vreg.gather [hbm4b:s7+s3], $0x80, v3, vm0, $0xb8;
	[tilespmem:$0x18100] =	vst v63  }
0xa3: {  	_ = 	snop  }
0xa4: {  	[tilespmem:s31], [sflag:$0x2] =	stream.indirect_vreg.gather [hbm4b:s8+s3], $0x80, v3, vm0, $0xb8;
	[tilespmem:$0x18100] =	vst v63  }
0xa5: {  	v3 =	vld [tilespmem:s20+$0x0];
	_ =	sdelay $0x4  }
0xa6: {  	v63 =	vshrl.u32 v3, $0x3  }
0xa7: {  	v4 =	vmul.u32 $0x30, v63  }
0xa8: {  	v3 =	vand.u32 $0x7, v3  }
0xa9: {  	v3 =	vor.u32 v3, v4  }
0xaa: {  	v4 =	vperm.xlane v3, v0;
	_ =	sdelay $0x1  }
0xab: {  	v4 =	vadd.s32 v1, v4;
	_ =	sdelay $0x3  }
0xac: {  	v3 =	vperm.xlane v3, v2  }
0xad: {  	[tilespmem:s0], [sflag:$0x2] =	stream.indirect_vreg.gather [hbm4b:s1+s3], $0x80, v4, vm0, $0xb8;
	[tilespmem:$0x18100] =	vst v63  }
0xae: {  	v3 =	vadd.s32 v1, v3  }
0xaf: {  	[tilespmem:s2], [sflag:$0x2] =	stream.indirect_vreg.gather [hbm4b:s7+s3], $0x80, v4, vm0, $0xb8;
	[tilespmem:$0x18100] =	vst v63  }
0xb0: {  	_ = 	snop  }
0xb1: {  	[tilespmem:s6], [sflag:$0x2] =	stream.indirect_vreg.gather [hbm4b:s8+s3], $0x80, v4, vm0, $0xb8;
	[tilespmem:$0x18100] =	vst v63  }
0xb2: {  	_ = 	snop  }
0xb3: {  	[tilespmem:s9], [sflag:$0x2] =	stream.indirect_vreg.gather [hbm4b:s1+s3], $0x80, v3, vm0, $0xb8;
	[tilespmem:$0x18100] =	vst v63  }
0xb4: {  	s19 =	sor.u32 s4, s19  }
0xb5: {  	[tilespmem:s11], [sflag:$0x2] =	stream.indirect_vreg.gather [hbm4b:s7+s3], $0x80, v3, vm0, $0xb8;
	[tilespmem:$0x18100] =	vst v63  }
0xb6: {  	s19 =	sshrl.u32 s19, $0x3  }
0xb7: {  	[tilespmem:s14], [sflag:$0x2] =	stream.indirect_vreg.gather [hbm4b:s8+s3], $0x80, v3, vm0, $0xb8;
	[tilespmem:$0x18100] =	vst v63  }
0xb8: {  	s19 =	smul.u32 $0x300, s19;
	_ =	swait.ge [sflag:s15], $0xC000  }
0xb9: {  	[sflag:s15] =	ssyncset.done $0x0  }
0xba: {  	s21 =	sadd.s32 s5, s19;
	[sflag:s15] =	ssyncadd.s32 $0xFFFF4000  }
0xbb: {  	[hbm4b:s21+s3] =	stream.linear.scatter [tilespmem:s12], [sflag:$0x3], $0xC000, $0x38;
	[tilespmem:$0x18100] =	vst v63  }
0xbc: {  	_ =	swait.ge [sflag:s16], $0xC000  }
0xbd: {  	[sflag:s16] =	ssyncset.done $0x0  }
.Ltmp2:
0xbe: {  	s19 =	sadd.s32 s10, s19;
	[sflag:s16] =	ssyncadd.s32 $0xFFFF4000;
	(pc) =	sbr.rel @!p0 .LBB2_4-.Ltmp2, $4  }
0xbf: {  	[hbm4b:s19+s3] =	stream.linear.scatter [tilespmem:s13], [sflag:$0x4], $0xC000, $0x38;
	[tilespmem:$0x18100] =	vst v63  }
0xc0: {  	_ =	swait.ge [sflag:s17], $0xC000  }
0xc1: {  	[sflag:s17] =	ssyncset.done $0x0  }
0xc2: {  	[sflag:s17] =	ssyncadd.s32 $0xFFFF4000  }
0xc3: {  	v3 =	vld [tilespmem:$0x80];
	_ =	sdelay $0x4  }
0xc4: {  	v4 =	vshrl.u32 v3, $0x3  }
0xc5: {  	v4 =	vmul.u32 $0x30, v4  }
0xc6: {  	v3 =	vand.u32 $0x7, v3  }
0xc7: {  	v3 =	vor.u32 v3, v4  }
0xc8: {  	v4 =	vperm.xlane v3, v0;
	_ =	sdelay $0x1  }
0xc9: {  	v4 =	vadd.s32 v1, v4;
	_ =	sdelay $0x3  }
0xca: {  	v3 =	vperm.xlane v3, v2  }
0xcb: {  	[tilespmem:s12], [sflag:$0x1] =	stream.indirect_vreg.gather [hbm4b:s1+s3], $0x80, v4, vm0, $0xb8;
	[tilespmem:$0x18100] =	vst v63  }
0xcc: {  	s19 =	simm.s32 $0x900;
	v3 =	vadd.s32 v1, v3  }
0xcd: {  	[tilespmem:s19], [sflag:$0x1] =	stream.indirect_vreg.gather [hbm4b:s7+s3], $0x80, v4, vm0, $0xb8;
	[tilespmem:$0x18100] =	vst v63  }
0xce: {  	s20 =	simm.s32 $0x1100  }
0xcf: {  	[tilespmem:s20], [sflag:$0x1] =	stream.indirect_vreg.gather [hbm4b:s8+s3], $0x80, v4, vm0, $0xb8;
	[tilespmem:$0x18100] =	vst v63  }
0xd0: {  	s21 =	simm.s32 $0x1900  }
0xd1: {  	[tilespmem:s21], [sflag:$0x1] =	stream.indirect_vreg.gather [hbm4b:s1+s3], $0x80, v3, vm0, $0xb8;
	[tilespmem:$0x18100] =	vst v63  }
0xd2: {  	s20 =	simm.s32 $0x2100  }
0xd3: {  	[tilespmem:s20], [sflag:$0x1] =	stream.indirect_vreg.gather [hbm4b:s7+s3], $0x80, v3, vm0, $0xb8;
	[tilespmem:$0x18100] =	vst v63  }
0xd4: {  	s21 =	simm.s32 $0x2900  }
0xd5: {  	[tilespmem:s21], [sflag:$0x1] =	stream.indirect_vreg.gather [hbm4b:s8+s3], $0x80, v3, vm0, $0xb8;
	[tilespmem:$0x18100] =	vst v63  }
0xd6: {  	v3 =	vld [tilespmem:$0x90];
	_ =	sdelay $0x4  }
0xd7: {  	v59 =	vshrl.u32 v3, $0x3  }
0xd8: {  	v4 =	vmul.u32 $0x30, v59  }
0xd9: {  	v3 =	vand.u32 $0x7, v3  }
0xda: {  	v3 =	vor.u32 v3, v4  }
0xdb: {  	v4 =	vperm.xlane v3, v0;
	_ =	sdelay $0x1  }
0xdc: {  	v4 =	vadd.s32 v1, v4;
	_ =	sdelay $0x3  }
0xdd: {  	s20 =	simm.s32 $0x3100;
	v3 =	vperm.xlane v3, v2  }
0xde: {  	[tilespmem:s20], [sflag:$0x1] =	stream.indirect_vreg.gather [hbm4b:s1+s3], $0x80, v4, vm0, $0xb8;
	[tilespmem:$0x18100] =	vst v63  }
0xdf: {  	s21 =	simm.s32 $0x3900;
	v3 =	vadd.s32 v1, v3  }
0xe0: {  	[tilespmem:s21], [sflag:$0x1] =	stream.indirect_vreg.gather [hbm4b:s7+s3], $0x80, v4, vm0, $0xb8;
	[tilespmem:$0x18100] =	vst v63  }
0xe1: {  	s20 =	simm.s32 $0x4100  }
0xe2: {  	[tilespmem:s20], [sflag:$0x1] =	stream.indirect_vreg.gather [hbm4b:s8+s3], $0x80, v4, vm0, $0xb8;
	[tilespmem:$0x18100] =	vst v63  }
0xe3: {  	s21 =	simm.s32 $0x4900  }
0xe4: {  	[tilespmem:s21], [sflag:$0x1] =	stream.indirect_vreg.gather [hbm4b:s1+s3], $0x80, v3, vm0, $0xb8;
	[tilespmem:$0x18100] =	vst v63  }
0xe5: {  	s20 =	simm.s32 $0x5100  }
0xe6: {  	[tilespmem:s20], [sflag:$0x1] =	stream.indirect_vreg.gather [hbm4b:s7+s3], $0x80, v3, vm0, $0xb8;
	[tilespmem:$0x18100] =	vst v63  }
0xe7: {  	s21 =	simm.s32 $0x5900  }
0xe8: {  	[tilespmem:s21], [sflag:$0x1] =	stream.indirect_vreg.gather [hbm4b:s8+s3], $0x80, v3, vm0, $0xb8;
	[tilespmem:$0x18100] =	vst v63  }
0xe9: {  	v3 =	vld [tilespmem:$0xA0];
	_ =	sdelay $0x4  }
0xea: {  	v60 =	vshrl.u32 v3, $0x3  }
0xeb: {  	v4 =	vmul.u32 $0x30, v60  }
0xec: {  	v3 =	vand.u32 $0x7, v3  }
0xed: {  	v3 =	vor.u32 v3, v4  }
0xee: {  	v4 =	vperm.xlane v3, v0;
	_ =	sdelay $0x1  }
0xef: {  	v4 =	vadd.s32 v1, v4;
	_ =	sdelay $0x3  }
0xf0: {  	s20 =	simm.s32 $0x6100;
	v3 =	vperm.xlane v3, v2  }
0xf1: {  	[tilespmem:s20], [sflag:$0x1] =	stream.indirect_vreg.gather [hbm4b:s1+s3], $0x80, v4, vm0, $0xb8;
	[tilespmem:$0x18100] =	vst v63  }
0xf2: {  	s21 =	simm.s32 $0x6900;
	v3 =	vadd.s32 v1, v3  }
0xf3: {  	[tilespmem:s21], [sflag:$0x1] =	stream.indirect_vreg.gather [hbm4b:s7+s3], $0x80, v4, vm0, $0xb8;
	[tilespmem:$0x18100] =	vst v63  }
0xf4: {  	s20 =	simm.s32 $0x7100  }
0xf5: {  	[tilespmem:s20], [sflag:$0x1] =	stream.indirect_vreg.gather [hbm4b:s8+s3], $0x80, v4, vm0, $0xb8;
	[tilespmem:$0x18100] =	vst v63  }
0xf6: {  	s21 =	simm.s32 $0x7900  }
0xf7: {  	[tilespmem:s21], [sflag:$0x1] =	stream.indirect_vreg.gather [hbm4b:s1+s3], $0x80, v3, vm0, $0xb8;
	[tilespmem:$0x18100] =	vst v63  }
0xf8: {  	s20 =	simm.s32 $0x8100  }
0xf9: {  	[tilespmem:s20], [sflag:$0x1] =	stream.indirect_vreg.gather [hbm4b:s7+s3], $0x80, v3, vm0, $0xb8;
	[tilespmem:$0x18100] =	vst v63  }
0xfa: {  	s21 =	simm.s32 $0x8900  }
0xfb: {  	[tilespmem:s21], [sflag:$0x1] =	stream.indirect_vreg.gather [hbm4b:s8+s3], $0x80, v3, vm0, $0xb8;
	[tilespmem:$0x18100] =	vst v63  }
0xfc: {  	v3 =	vld [tilespmem:$0xB0];
	_ =	sdelay $0x4  }
0xfd: {  	v61 =	vshrl.u32 v3, $0x3  }
0xfe: {  	v4 =	vmul.u32 $0x30, v61  }
0xff: {  	v3 =	vand.u32 $0x7, v3  }
0x100: {  	v3 =	vor.u32 v3, v4  }
0x101: {  	v4 =	vperm.xlane v3, v0;
	_ =	sdelay $0x1  }
0x102: {  	v4 =	vadd.s32 v1, v4;
	_ =	sdelay $0x3  }
0x103: {  	s20 =	simm.s32 $0x9100;
	v3 =	vperm.xlane v3, v2  }
0x104: {  	[tilespmem:s20], [sflag:$0x1] =	stream.indirect_vreg.gather [hbm4b:s1+s3], $0x80, v4, vm0, $0xb8;
	[tilespmem:$0x18100] =	vst v63  }
0x105: {  	s21 =	simm.s32 $0x9900;
	v3 =	vadd.s32 v1, v3  }
0x106: {  	[tilespmem:s21], [sflag:$0x1] =	stream.indirect_vreg.gather [hbm4b:s7+s3], $0x80, v4, vm0, $0xb8;
	[tilespmem:$0x18100] =	vst v63  }
0x107: {  	s20 =	simm.s32 $0xA100  }
0x108: {  	[tilespmem:s20], [sflag:$0x1] =	stream.indirect_vreg.gather [hbm4b:s8+s3], $0x80, v4, vm0, $0xb8;
	[tilespmem:$0x18100] =	vst v63  }
0x109: {  	s21 =	simm.s32 $0xA900  }
0x10a: {  	[tilespmem:s21], [sflag:$0x1] =	stream.indirect_vreg.gather [hbm4b:s1+s3], $0x80, v3, vm0, $0xb8;
	[tilespmem:$0x18100] =	vst v63  }
0x10b: {  	s20 =	simm.s32 $0xB100  }
0x10c: {  	[tilespmem:s20], [sflag:$0x1] =	stream.indirect_vreg.gather [hbm4b:s7+s3], $0x80, v3, vm0, $0xb8;
	[tilespmem:$0x18100] =	vst v63  }
0x10d: {  	s21 =	simm.s32 $0xB900  }
0x10e: {  	[tilespmem:s21], [sflag:$0x1] =	stream.indirect_vreg.gather [hbm4b:s8+s3], $0x80, v3, vm0, $0xb8;
	[tilespmem:$0x18100] =	vst v63  }
0x10f: {  	_ =	swait.ge [sflag:s18], $0xC000  }
0x110: {  	[sflag:s18] =	ssyncset.done $0x0  }
0x111: {  	[sflag:s18] =	ssyncadd.s32 $0xFFFF4000  }
0x112: {  	v3 =	vld [tilespmem:$0xC0];
	_ =	sdelay $0x4  }
0x113: {  	v62 =	vshrl.u32 v3, $0x3  }
0x114: {  	v4 =	vmul.u32 $0x30, v62  }
0x115: {  	v3 =	vand.u32 $0x7, v3  }
0x116: {  	v3 =	vor.u32 v3, v4  }
0x117: {  	v4 =	vperm.xlane v3, v0;
	_ =	sdelay $0x1  }
0x118: {  	v4 =	vadd.s32 v1, v4;
	_ =	sdelay $0x3  }
0x119: {  	v3 =	vperm.xlane v3, v2  }
0x11a: {  	[tilespmem:s13], [sflag:$0x2] =	stream.indirect_vreg.gather [hbm4b:s1+s3], $0x80, v4, vm0, $0xb8;
	[tilespmem:$0x18100] =	vst v63  }
0x11b: {  	s20 =	simm.s32 $0xC900;
	v3 =	vadd.s32 v1, v3  }
0x11c: {  	[tilespmem:s20], [sflag:$0x2] =	stream.indirect_vreg.gather [hbm4b:s7+s3], $0x80, v4, vm0, $0xb8;
	[tilespmem:$0x18100] =	vst v63  }
0x11d: {  	s21 =	simm.s32 $0xD100  }
0x11e: {  	[tilespmem:s21], [sflag:$0x2] =	stream.indirect_vreg.gather [hbm4b:s8+s3], $0x80, v4, vm0, $0xb8;
	[tilespmem:$0x18100] =	vst v63  }
0x11f: {  	s20 =	simm.s32 $0xD900  }
0x120: {  	[tilespmem:s20], [sflag:$0x2] =	stream.indirect_vreg.gather [hbm4b:s1+s3], $0x80, v3, vm0, $0xb8;
	[tilespmem:$0x18100] =	vst v63  }
0x121: {  	s21 =	simm.s32 $0xE100  }
0x122: {  	[tilespmem:s21], [sflag:$0x2] =	stream.indirect_vreg.gather [hbm4b:s7+s3], $0x80, v3, vm0, $0xb8;
	[tilespmem:$0x18100] =	vst v63  }
0x123: {  	s20 =	simm.s32 $0xE900  }
0x124: {  	[tilespmem:s20], [sflag:$0x2] =	stream.indirect_vreg.gather [hbm4b:s8+s3], $0x80, v3, vm0, $0xb8;
	[tilespmem:$0x18100] =	vst v63  }
0x125: {  	v3 =	vld [tilespmem:$0xD0];
	_ =	sdelay $0x4  }
0x126: {  	v63 =	vshrl.u32 v3, $0x3  }
0x127: {  	v4 =	vmul.u32 $0x30, v63  }
0x128: {  	v3 =	vand.u32 $0x7, v3  }
0x129: {  	v3 =	vor.u32 v3, v4  }
0x12a: {  	v4 =	vperm.xlane v3, v0;
	_ =	sdelay $0x1  }
0x12b: {  	v4 =	vadd.s32 v1, v4;
	_ =	sdelay $0x3  }
0x12c: {  	s21 =	simm.s32 $0xF100;
	v3 =	vperm.xlane v3, v2  }
0x12d: {  	[tilespmem:s21], [sflag:$0x2] =	stream.indirect_vreg.gather [hbm4b:s1+s3], $0x80, v4, vm0, $0xb8;
	[tilespmem:$0x18100] =	vst v63  }
0x12e: {  	s20 =	simm.s32 $0xF900;
	v3 =	vadd.s32 v1, v3  }
0x12f: {  	[tilespmem:s20], [sflag:$0x2] =	stream.indirect_vreg.gather [hbm4b:s7+s3], $0x80, v4, vm0, $0xb8;
	[tilespmem:$0x18100] =	vst v63  }
0x130: {  	s21 =	simm.s32 $0x10100  }
0x131: {  	[tilespmem:s21], [sflag:$0x2] =	stream.indirect_vreg.gather [hbm4b:s8+s3], $0x80, v4, vm0, $0xb8;
	[tilespmem:$0x18100] =	vst v63  }
0x132: {  	_ = 	snop  }
0x133: {  	[tilespmem:s22], [sflag:$0x2] =	stream.indirect_vreg.gather [hbm4b:s1+s3], $0x80, v3, vm0, $0xb8;
	[tilespmem:$0x18100] =	vst v63  }
.Ltmp3:
0x134: {  	_ = 	snop;
	(pc) =	sbr.rel .LBB2_2-.Ltmp3, $4  }
0x135: {  	p0 =	por $0x0, $0x0  }
0x136: {  	[tilespmem:s23], [sflag:$0x2] =	stream.indirect_vreg.gather [hbm4b:s7+s3], $0x80, v3, vm0, $0xb8;
	[tilespmem:$0x18100] =	vst v63  }
0x137: {  	s19 =	simm.s32 $0x80;
	s20 =	simm.s32 $0xF0;
	s21 =	simm.s32 $0xE0  }
0x138: {  	[tilespmem:s24], [sflag:$0x2] =	stream.indirect_vreg.gather [hbm4b:s8+s3], $0x80, v3, vm0, $0xb8;
	[tilespmem:$0x18100] =	vst v63  }
.LBB2_5:
0x139: {  	_ =	sfence.sel $0x180000  }
0x13a: {  	[bflag:$0x0] =	sbarrier.arrive $0xFFFF  }
0x13b: {  	_ =	strace $0x90000047  }
0x13c: {  	s0 =	stileid.u32;
	[bflag:$0x2] =	sbarrier.arrive $0xFFFF  }
0x13d: {  	p0 =	sne.s32 s0, $0x0;
	s0 =	rddreg [dreg:$0x3]  }
0x13e: {  	s0 =	sadd.s32 @!p0 $0x100000, s0  }
0x13f: {  	[sflag:s0] =	ssyncadd.tile.s32 @!p0 $0x1;
	_ =	shalt  }
.Lfunc_end2:
_tile_overlayer_lowered:
.L_overlay_start_2:
0x140: {  	(tag) =	ssettag $0x2  }
0x141: {  	s0 =	rddreg [dreg:$0x0];
	s2 =	stileid.u32  }
0x142: {  	s1 =	rddreg [dreg:$0x1];
	p0 =	sne.s32 s2, $0x0  }
0x143: {  	s3 =	rddreg [dreg:$0x2];
	[bflag:$0x3] =	sbarrier.arrive $0xFFFF;
	s2 =	simm.s32 @!p0 $0x1C05  }
0x144: {  	[timem:s3], [sflag:s2] =	dma.local @!p0 [hbm:s0], s1  }
0x145: {  	s0 =	simm.s32 @!p0 $0x5  }
0x146: {  	_ =	swait.ge @!p0 [sflag:s0], s1  }
0x147: {  	s1 =	ssub.s32 @!p0 $0x0, s1;
	[sflag:s0] =	ssyncset.done @!p0 $0x0  }
0x148: {  	[sflag:s0] =	ssyncadd.s32 @!p0 s1  }
0x149: {  	[bflag:$0x3] =	sbarrier.arrive $0xFFFF  }
0x14a: {  	_ =	shalt  }

// kernel: kernel.9.cloned.1.call-start
scs
__scs_entry_jumppad:
0x0: {  	(pc) =	sbr.rel $0x88, $3  }
0x1: {  	(tag) =	ssettag $0x0;
	lr =	simm.s32 $0x1  }
0x2: {  	[smem:$0x3F98] =	sst lr;
	_ =	strace $0xD0000000  }
0x3: {  	_ = 	snop  }
0x4: {  	_ = 	snop  }
0x5: {  	_ = 	snop  }
0x6: {  	_ = 	snop  }
0x7: {  	_ = 	snop  }
__scs_overlays_trampoline_lowered:
0x8: {  	[smem:$0x3FA7] =	sst s0  }
0x9: {  	[smem:$0x3FA8] =	sst s1  }
0xa: {  	[smem:$0x3FA9] =	sst s2  }
0xb: {  	[smem:$0x3FAA] =	sst s3  }
0xc: {  	[smem:$0x3FAB] =	sst s4  }
0xd: {  	[smem:$0x3FAC] =	sst s5  }
0xe: {  	[smem:$0x3FAD] =	sst s6  }
0xf: {  	[smem:$0x3FAE] =	sst s7  }
0x10: {  	[smem:$0x3FAF] =	sst s8  }
0x11: {  	[smem:$0x3FB0] =	sst s9;
	s0 =	simm.s32 @!p0 $0x0  }
0x12: {  	s1 =	sld [smem:$0x3F96];
	s0 =	simm.s32 @p0 $0x1  }
0x13: {  	[smem:$0x3FB1] =	sst s0;
	s0 =	simm.s32 @!p1 $0x0  }
0x14: {  	s2 =	sld [smem:$0x3F95];
	s0 =	simm.s32 @p1 $0x1  }
0x15: {  	[smem:$0x3FB2] =	sst s0;
	s0 =	simm.s32 @!p2 $0x0  }
0x16: {  	s3 =	sld [smem:$0x3FDB];
	s0 =	simm.s32 @p2 $0x1  }
0x17: {  	s4 =	simm.s32 $0x1BF5;
	[smem:$0x3FB4] =	sst s0  }
0x18: {  	s0 =	sld [smem:$0x3F97];
	_ =	swait.ge [sflag:s4], $0x0  }
0x19: {  	s7 =	sld [smem:$0x3F98]  }
0x1a: {  	s8 =	sadd.s32 $0xFFFFE003, lr  }
0x1b: {  	s9 =	sadd.s32 $0xFFFFFEF7, lr;
	s5 =	simm.s32 $0xFFFFFFFF;
	p2 =	slt.u32 s8, $0xFFFFF086  }
0x1c: {  	p1 =	slt.u32 s9, $0xF7A;
	s5 =	simm.s32 @!p2 $0x0  }
0x1d: {  	s5 =	simm.s32 @p1 $0x1;
	p0 =	seq.s32 s7, s2  }
0x1e: {  	s7 =	smul.u32 @!p0 $0xF7A, s2;
	p2 =	seq.s32 @!p0 s5, $0x0  }
0x1f: {  	s9 =	smul.u32 $0xF7A, s1;
	s8 =	simm.s32 @!p0 $0x1BF5;
	p2 =	por !p2, p0  }
0x20: {  	[sflag:s8] =	ssyncset.s32 @!p0 $0xFFFFF086;
	s6 =	sadd.s32 @!p0 s3, s7;
	s7 =	simm.s32 @!p0 $0x108  }
0x21: {  	s3 =	sadd.s32 s3, s9;
	s6 =	sadd.s32 @!p0 $0x88, s6;
	s7 =	simm.s32 @p2 $0x1082  }
0x22: {  	[simem:s7], [sflag:s8] =	dma.local @!p0 [hbm:s6], $0xF7A  }
0x23: {  	s9 =	sor.u32 $0xD0000000, s2;
	s6 =	simm.s32 $0x108;
	_ =	swait.ge @!p0 [sflag:s8], $0x0  }
0x24: {  	s3 =	sadd.s32 $0x88, s3;
	s6 =	simm.s32 @!p1 $0x1082;
	[sflag:s4] =	ssyncset.s32 $0xFFFFF086  }
0x25: {  	[simem:s6], [sflag:s4] =	dma.local [hbm:s3], $0xF7A  }
0x26: {  	[smem:$0x3F98] =	sst s1;
	(tag) =	ssettag s2;
	_ =	strace s9  }
0x27: {  	s1 =	sld [smem:$0x3FA8]  }
0x28: {  	s2 =	sld [smem:$0x3FA9]  }
0x29: {  	s4 =	sld [smem:$0x3FAB]  }
0x2a: {  	p0 =	seq.s32 s5, $0x0;
	s5 =	sld [smem:$0x3FAC]  }
0x2b: {  	s6 =	sld [smem:$0x3FAD]  }
0x2c: {  	s7 =	sld [smem:$0x3FAE]  }
0x2d: {  	s3 =	simm.s32 $0x108;
	s8 =	sld [smem:$0x3FAF]  }
0x2e: {  	s3 =	simm.s32 @!p0 $0x1082;
	s9 =	sld [smem:$0x3FB0]  }
0x2f: {  	lr =	sadd.s32 s0, s3;
	s0 =	sld [smem:$0x3FA7]  }
0x30: {  	s3 =	sld [smem:$0x3FAA]  }
0x31: {  	[smem:$0x3FB3] =	sst s10  }
0x32: {  	s10 =	sld [smem:$0x3FB1];
	_ =	sdelay $0x3  }
0x33: {  	p0 =	seq.s32 s10, $0x1;
	s10 =	sld [smem:$0x3FB3];
	_ =	sdelay $0x3  }
0x34: {  	[smem:$0x3FB3] =	sst s10  }
0x35: {  	s10 =	sld [smem:$0x3FB2];
	_ =	sdelay $0x3  }
0x36: {  	p1 =	seq.s32 s10, $0x1;
	s10 =	sld [smem:$0x3FB3];
	_ =	sdelay $0x3  }
0x37: {  	[smem:$0x3FB3] =	sst s10  }
0x38: {  	s10 =	sld [smem:$0x3FB4]  }
0x39: {  	_ = 	snop;
	(pc) =	sbr.ind lr, $3  }
0x3a: {  	_ = 	snop  }
0x3b: {  	_ = 	snop  }
0x3c: {  	p2 =	seq.s32 s10, $0x1;
	s10 =	sld [smem:$0x3FB3]  }
0x3d: {  	_ =	shalt  }
0x3e: {  	_ =	shalt  }
0x3f: {  	_ =	shalt  }
0x40: {  	_ =	shalt  }
0x41: {  	_ =	shalt  }
0x42: {  	_ =	shalt  }
0x43: {  	_ =	shalt  }
0x44: {  	_ =	shalt  }
0x45: {  	_ =	shalt  }
0x46: {  	_ =	shalt  }
0x47: {  	_ =	shalt  }
0x48: {  	_ =	shalt  }
0x49: {  	_ =	shalt  }
0x4a: {  	_ =	shalt  }
0x4b: {  	_ =	shalt  }
0x4c: {  	_ =	shalt  }
0x4d: {  	_ =	shalt  }
0x4e: {  	_ =	shalt  }
0x4f: {  	_ =	shalt  }
0x50: {  	_ =	shalt  }
0x51: {  	_ =	shalt  }
0x52: {  	_ =	shalt  }
0x53: {  	_ =	shalt  }
0x54: {  	_ =	shalt  }
0x55: {  	_ =	shalt  }
0x56: {  	_ =	shalt  }
0x57: {  	_ =	shalt  }
0x58: {  	_ =	shalt  }
0x59: {  	_ =	shalt  }
0x5a: {  	_ =	shalt  }
0x5b: {  	_ =	shalt  }
0x5c: {  	_ =	shalt  }
0x5d: {  	_ =	shalt  }
0x5e: {  	_ =	shalt  }
0x5f: {  	_ =	shalt  }
0x60: {  	_ =	shalt  }
0x61: {  	_ =	shalt  }
0x62: {  	_ =	shalt  }
0x63: {  	_ =	shalt  }
0x64: {  	_ =	shalt  }
0x65: {  	_ =	shalt  }
0x66: {  	_ =	shalt  }
0x67: {  	_ =	shalt  }
0x68: {  	_ =	shalt  }
0x69: {  	_ =	shalt  }
0x6a: {  	_ =	shalt  }
0x6b: {  	_ =	shalt  }
0x6c: {  	_ =	shalt  }
0x6d: {  	_ =	shalt  }
0x6e: {  	_ =	shalt  }
0x6f: {  	_ =	shalt  }
0x70: {  	_ =	shalt  }
0x71: {  	_ =	shalt  }
0x72: {  	_ =	shalt  }
0x73: {  	_ =	shalt  }
0x74: {  	_ =	shalt  }
0x75: {  	_ =	shalt  }
0x76: {  	_ =	shalt  }
0x77: {  	_ =	shalt  }
0x78: {  	_ =	shalt  }
0x79: {  	_ =	shalt  }
0x7a: {  	_ =	shalt  }
0x7b: {  	_ =	shalt  }
0x7c: {  	_ =	shalt  }
0x7d: {  	_ =	shalt  }
0x7e: {  	_ =	shalt  }
0x7f: {  	_ =	shalt  }
0x80: {  	_ =	shalt  }
0x81: {  	_ =	shalt  }
0x82: {  	_ =	shalt  }
0x83: {  	_ =	shalt  }
0x84: {  	_ =	shalt  }
0x85: {  	_ =	shalt  }
0x86: {  	_ =	shalt  }
0x87: {  	_ =	shalt  }
.Lfunc_end0:
.L_simem_size_0:
called_computation.1_lowered:
.L_overlay_start_0:
0x88: {  	s2 =	sld [smem:$0x3FD9]  }
0x89: {  	s3 =	sld [smem:$0x3FFE];
	_ =	sdelay $0x1  }
0x8a: {  	s1 =	srdreg.scid  }
0x8b: {  	s0 =	sand.u32 $0x1, s1  }
0x8c: {  	s17 =	sshll.u32 s0, $0xA;
	s2 =	sadd.s32 s3, s2  }
0x8d: {  	s2 =	sadd.s32 s2, s17  }
0x8e: {  	[smem:$0x3FBF] =	sst s2  }
0x8f: {  	_ = 	snop  }
0x90: {  	s18 =	sld [smem:$0x3FC6];
	(tm) =	ssettm $0x1  }
0x91: {  	s19 =	sld [smem:$0x3FFB];
	_ =	sdelay $0x3  }
0x92: {  	_ =	strace s19  }
0x93: {  	s2 =	sld [smem:$0x3FFC];
	_ =	sdelay $0x3  }
0x94: {  	_ =	strace s2  }
0x95: {  	s2 =	sld [smem:$0x3FFD];
	_ =	sdelay $0x3  }
0x96: {  	_ =	strace s2  }
0x97: {  	_ =	strace $0x8FFFFFFF  }
0x98: {  	s20 =	sld [smem:$0x3FDB];
	_ =	sdelay $0x1  }
0x99: {  	s4 =	simm.s32 $_scs_section_size  }
0x9a: {  	s5 =	simm.s32 $_size__tile_overlayer_lowered;
	s6 =	simm.s32 $_tile_overlayer_lowered  }
0x9b: {  	s7 =	simm.s32 $0x1BFF;
	s21 =	sshll.u32 s6, $0x1;
	s4 =	sadd.s32 s4, s20  }
0x9c: {  	s22 =	simm.s32 $0x0;
	s5 =	sshll.u32 s5, $0x1;
	s6 =	sadd.s32 s21, s4  }
0x9d: {  	[timem:s22], [sflag:s7] =	dma.local [hbm:s6], s5  }
0x9e: {  	_ =	swait.ge [sflag:s7], s5  }
0x9f: {  	s5 =	ssub.s32 $0x0, s5;
	[sflag:s7] =	ssyncset.done $0x0  }
0xa0: {  	[sflag:s7] =	ssyncadd.s32 s5;
	_ =	sdelay $0x1  }
0xa1: {  	s23 =	simm.s32 $0x1B8B  }
0xa2: {  	_ =	swait.ge [sflag:s23], $0x1  }
0xa3: {  	[sflag:s23] =	ssyncset.done $0x0  }
0xa4: {  	[sflag:s23] =	ssyncadd.s32 $0xFFFFFFFF  }
0xa5: {  	s5 =	sld [smem:$0x0]  }
0xa6: {  	s6 =	sand.u32 $0xFFFFFFFE, s1  }
0xa7: {  	p0 =	sne.s32 s1, s6  }
0xa8: {  	s6 =	sshll.u32 @p0 s6, $0xE  }
0xa9: {  	s6 =	sadd.s32 @p0 $0x11B8D, s6;
	s7 =	sshll.u32 @p0 s5, $0x11  }
0xaa: {  	s6 =	sor.u32 @p0 s7, s6  }
0xab: {  	[sflag:s6] =	ssyncadd.remote.s32 @p0 $0x1;
	_ =	sdelay $0x1  }
0xac: {  	s6 =	simm.s32 @p0 $0x1B8D  }
0xad: {  	_ =	swait.eq @p0 [sflag:s6], $0x1  }
0xae: {  	[sflag:s6] =	ssyncadd.s32 @p0 $0xFFFFFFFF  }
0xaf: {  	s7 =	sshll.u32 @!p0 s1, $0xE  }
0xb0: {  	s7 =	sor.u32 @!p0 $0x4000, s7;
	s6 =	simm.s32 @!p0 $0x1B8D  }
0xb1: {  	s5 =	sshll.u32 @!p0 s5, $0x11;
	s7 =	sadd.s32 @!p0 $0x11B8D, s7;
	_ =	swait.eq @!p0 [sflag:s6], $0x1  }
0xb2: {  	s5 =	sor.u32 @!p0 s5, s7;
	[sflag:s6] =	ssyncadd.s32 @!p0 $0xFFFFFFFF  }
0xb3: {  	s25 =	simm.s32 $0x1B8E;
	s24 =	sld [smem:$0x3FFE];
	[sflag:s5] =	ssyncadd.remote.s32 @!p0 $0x1  }
0xb4: {  	s26 =	simm.s32 $execute0_lowered;
	[smem:$0x3FD2] =	sst s25  }
0xb5: {  	s6 =	sshll.u32 s26, $0x1;
	_ =	strace $0x80000049;
	[dreg:$0x1] =	wrdreg $0xFFFFFFFF  }
0xb6: {  	s28 =	simm.s32 $_size_execute0_lowered;
	s4 =	sadd.s32 s4, s6;
	[dreg:$0x0] =	wrdreg $0x0  }
0xb7: {  	s6 =	sshll.u32 s28, $0x1;
	[dreg:$0x2] =	wrdreg s4  }
0xb8: {  	[dreg:$0x3] =	wrdreg s6  }
0xb9: {  	[dreg:$0x4] =	wrdreg $0xC0  }
0xba: {  	_ =	task [dreg:s22], $0x5FFFF  }
0xbb: {  	[dreg:$0x1] =	wrdreg $0xFFFFFFFF  }
0xbc: {  	[dreg:$0x0] =	wrdreg $0x60  }
0xbd: {  	[dreg:$0x2] =	wrdreg s24  }
0xbe: {  	[dreg:$0x3] =	wrdreg s18  }
0xbf: {  	[dreg:$0x4] =	wrdreg $0xA  }
0xc0: {  	_ =	task.clear_ibuf [dreg:s22], $0x5FFFF;
	_ =	strace $0x90000049  }
0xc1: {  	s29 =	simm.s32 $0xA;
	_ =	strace $0x8000004B  }
0xc2: {  	_ =	swait.ge [sflag:s29], $0x1  }
0xc3: {  	[sflag:s29] =	ssyncadd.s32 $0xFFFFFFFF  }
0xc4: {  	_ =	strace $0x9000004B  }
0xc5: {  	_ =	sfence  }
0xc6: {  	s30 =	sld [smem:$0x0];
	_ =	sdelay $0x2  }
0xc7: {  	s31 =	sshll.u32 s1, $0xD;
	s1 =	sshrl.u32 s1, $0x2  }
0xc8: {  	s4 =	sand.u32 $0x4000, s31;
	s1 =	sadd.s32 s1, s30  }
0xc9: {  	s0 =	sor.u32 s4, s0;
	s1 =	sshll.u32 s1, $0x11  }
0xca: {  	s0 =	sor.u32 s1, s0  }
0xcb: {  	s0 =	sadd.s32 $0x8F2B, s0  }
0xcc: {  	[sflag:s0] =	ssyncadd.remote.s32 $0x1  }
0xcd: {  	_ =	sfence.sel $0xFFFF  }
0xce: {  	[dreg:$0x0] =	wrdreg $0xFFFFFFFF;
	(pc) =	sbr.abs _section_cstart, $3  }
0xcf: {  	[dreg:$0x1] =	wrdreg $0xFFFFFFFF  }
0xd0: {  	_ =	task.clear_ibuf [dreg:s22], $0x2FFFF;
	_ =	strace $0x9FFFFFFF  }
0xd1: {  	(tm) =	ssettm $0x7FFFFFFF  }
tec
execute0_lowered:
.L_overlay_start_1:
0x0: {  	(tag) =	ssettag $0x1  }
0x1: {  	s0 =	rddreg [dreg:$0x0]  }
0x2: {  	s2 =	rddreg [dreg:$0x1]  }
0x3: {  	s1 =	srdreg.scid;
	s4 =	stileid.u32;
	s3 =	simm.s32 $0x0  }
0x4: {  	s12 =	simm.s32 $0x100;
	s13 =	simm.s32 $0xC100;
	s22 =	simm.s32 $0x10900  }
0x5: {  	s23 =	simm.s32 $0x11100;
	s24 =	simm.s32 $0x11900;
	s25 =	simm.s32 $0x12100  }
0x6: {  	s26 =	simm.s32 $0x12900;
	s28 =	simm.s32 $0x13100;
	s29 =	simm.s32 $0x13900  }
0x7: {  	s30 =	simm.s32 $0x14100;
	s31 =	simm.s32 $0x14900;
	s9 =	simm.s32 $0x16900  }
0x8: {  	s11 =	simm.s32 $0x17100;
	s14 =	simm.s32 $0x17900;
	s15 =	simm.s32 $0x1  }
0x9: {  	s16 =	simm.s32 $0x2;
	s17 =	simm.s32 $0x3;
	s18 =	simm.s32 $0x4  }
0xa: {  	s20 =	simm.s32 $0x0;
	s1 =	sand.u32 $0x1, s1;
	s4 =	sshll.u32 s4, $0x9  }
0xb: {  	[smem:$0x7FF] =	sst s3;
	s8 =	sadd.s32 $0x200, s2;
	s10 =	sadd.s32 $0xC3400, s0  }
0xc: {  	s5 =	sshll.u32 s1, $0x8;
	_ =	strace $0x8000004A;
	s1 =	ssub.s32 $0x2, s1  }
.Ltmp0:
0xd: {  	s4 =	sor.u32 s5, s4;
	s7 =	sshrl.u32 s1, $0x1;
	(pc) =	sbr.rel .LBB2_1-.Ltmp0, $4  }
0xe: {  	s5 =	sshrl.u32 s4, $0x3;
	s1 =	ssub.s32 s1, s7;
	s7 =	sadd.s32 $0x100, s2  }
0xf: {  	v2 =	vlaneseq.u32;
	s6 =	sadd.s32 s5, s0;
	s5 =	sadd.s32 $0xC1C00, s0;
	s1 =	smax.u32 s1, $0x1  }
0x10: {  	vm0 =	vmmov $0xffff;
	v1 =	vshrl.u32 v2, $0x3;
	s0 =	simm.s32 $0x15100;
	s6 =	sadd.s32 $0xC1800, s6;
	[dreg:$0x4] =	wrdreg s1  }
0x11: {  	v0 =	vand.u32 $0x7, v2;
	v2 =	vor.u32 $0x8, v2;
	v1 =	vmul.u32 $0x8, v1;
	s1 =	simm.s32 $0x15900;
	[dreg:$0x3] =	wrdreg s6;
	s6 =	simm.s32 $0x16100  }
.LBB2_4:
0x12: {  	_ =	swait.ge [sflag:s18], $0xC000  }
0x13: {  	s20 =	rddreg [dreg:$0x5]  }
0x14: {  	s19 =	rddreg [dreg:$0x4];
	s20 =	sadd.s32 $0x1, s20  }
0x15: {  	p0 =	sne.s32 s20, s19  }
.Ltmp1:
0x16: {  	_ = 	snop;
	(pc) =	sbr.rel @!p0 .LBB2_5-.Ltmp1, $3  }
0x17: {  	_ =	sdelay $0x1  }
0x18: {  	[sflag:s18] =	ssyncset.done $0x0  }
0x19: {  	[sflag:s18] =	ssyncadd.s32 $0xFFFF4000  }
.LBB2_1:
0x1a: {  	[dreg:$0x5] =	wrdreg s20  }
0x1b: {  	s19 =	rddreg [dreg:$0x3];
	s20 =	simm.s32 $0x5  }
0x1c: {  	[tilespmem:s3], [sflag:$0x5] =	stream.linear.gather [hbm4b:s19+s3], $0x100, $0x38;
	[tilespmem:$0x18100] =	vst v63  }
0x1d: {  	_ =	swait.ge [sflag:s20], $0x100  }
0x1e: {  	[sflag:s20] =	ssyncset.done $0x0  }
0x1f: {  	[sflag:s20] =	ssyncadd.s32 $0xFFFFFF00  }
0x20: {  	v3 =	vld [tilespmem:$0x0];
	_ =	sdelay $0x4  }
0x21: {  	v4 =	vshrl.u32 v3, $0x3  }
0x22: {  	v4 =	vmul.u32 $0x30, v4  }
0x23: {  	v3 =	vand.u32 $0x7, v3  }
0x24: {  	v3 =	vor.u32 v3, v4  }
0x25: {  	v4 =	vperm.xlane v3, v0;
	_ =	sdelay $0x1  }
0x26: {  	v4 =	vadd.s32 v1, v4;
	_ =	sdelay $0x3  }
0x27: {  	v3 =	vperm.xlane v3, v2  }
0x28: {  	[tilespmem:s12], [sflag:$0x1] =	stream.indirect_vreg.gather [hbm4b:s2+s3], $0x80, v4, vm0, $0xb8;
	[tilespmem:$0x18100] =	vst v63  }
0x29: {  	s21 =	simm.s32 $0x900;
	v3 =	vadd.s32 v1, v3  }
0x2a: {  	[tilespmem:s21], [sflag:$0x1] =	stream.indirect_vreg.gather [hbm4b:s7+s3], $0x80, v4, vm0, $0xb8;
	[tilespmem:$0x18100] =	vst v63  }
0x2b: {  	s20 =	simm.s32 $0x1100  }
0x2c: {  	[tilespmem:s20], [sflag:$0x1] =	stream.indirect_vreg.gather [hbm4b:s8+s3], $0x80, v4, vm0, $0xb8;
	[tilespmem:$0x18100] =	vst v63  }
0x2d: {  	s21 =	simm.s32 $0x1900  }
0x2e: {  	[tilespmem:s21], [sflag:$0x1] =	stream.indirect_vreg.gather [hbm4b:s2+s3], $0x80, v3, vm0, $0xb8;
	[tilespmem:$0x18100] =	vst v63  }
0x2f: {  	s20 =	simm.s32 $0x2100  }
0x30: {  	[tilespmem:s20], [sflag:$0x1] =	stream.indirect_vreg.gather [hbm4b:s7+s3], $0x80, v3, vm0, $0xb8;
	[tilespmem:$0x18100] =	vst v63  }
0x31: {  	s21 =	simm.s32 $0x2900  }
0x32: {  	[tilespmem:s21], [sflag:$0x1] =	stream.indirect_vreg.gather [hbm4b:s8+s3], $0x80, v3, vm0, $0xb8;
	[tilespmem:$0x18100] =	vst v63  }
0x33: {  	v3 =	vld [tilespmem:$0x10];
	_ =	sdelay $0x4  }
0x34: {  	v59 =	vshrl.u32 v3, $0x3  }
0x35: {  	v4 =	vmul.u32 $0x30, v59  }
0x36: {  	v3 =	vand.u32 $0x7, v3  }
0x37: {  	v3 =	vor.u32 v3, v4  }
0x38: {  	v4 =	vperm.xlane v3, v0;
	_ =	sdelay $0x1  }
0x39: {  	v4 =	vadd.s32 v1, v4;
	_ =	sdelay $0x3  }
0x3a: {  	s20 =	simm.s32 $0x3100;
	v3 =	vperm.xlane v3, v2  }
0x3b: {  	[tilespmem:s20], [sflag:$0x1] =	stream.indirect_vreg.gather [hbm4b:s2+s3], $0x80, v4, vm0, $0xb8;
	[tilespmem:$0x18100] =	vst v63  }
0x3c: {  	s21 =	simm.s32 $0x3900;
	v3 =	vadd.s32 v1, v3  }
0x3d: {  	[tilespmem:s21], [sflag:$0x1] =	stream.indirect_vreg.gather [hbm4b:s7+s3], $0x80, v4, vm0, $0xb8;
	[tilespmem:$0x18100] =	vst v63  }
0x3e: {  	s20 =	simm.s32 $0x4100  }
0x3f: {  	[tilespmem:s20], [sflag:$0x1] =	stream.indirect_vreg.gather [hbm4b:s8+s3], $0x80, v4, vm0, $0xb8;
	[tilespmem:$0x18100] =	vst v63  }
0x40: {  	s21 =	simm.s32 $0x4900  }
0x41: {  	[tilespmem:s21], [sflag:$0x1] =	stream.indirect_vreg.gather [hbm4b:s2+s3], $0x80, v3, vm0, $0xb8;
	[tilespmem:$0x18100] =	vst v63  }
0x42: {  	s20 =	simm.s32 $0x5100  }
0x43: {  	[tilespmem:s20], [sflag:$0x1] =	stream.indirect_vreg.gather [hbm4b:s7+s3], $0x80, v3, vm0, $0xb8;
	[tilespmem:$0x18100] =	vst v63  }
0x44: {  	s21 =	simm.s32 $0x5900  }
0x45: {  	[tilespmem:s21], [sflag:$0x1] =	stream.indirect_vreg.gather [hbm4b:s8+s3], $0x80, v3, vm0, $0xb8;
	[tilespmem:$0x18100] =	vst v63  }
0x46: {  	v3 =	vld [tilespmem:$0x20];
	_ =	sdelay $0x4  }
0x47: {  	v60 =	vshrl.u32 v3, $0x3  }
0x48: {  	v4 =	vmul.u32 $0x30, v60  }
0x49: {  	v3 =	vand.u32 $0x7, v3  }
0x4a: {  	v3 =	vor.u32 v3, v4  }
0x4b: {  	v4 =	vperm.xlane v3, v0;
	_ =	sdelay $0x1  }
0x4c: {  	v4 =	vadd.s32 v1, v4;
	_ =	sdelay $0x3  }
0x4d: {  	s20 =	simm.s32 $0x6100;
	v3 =	vperm.xlane v3, v2  }
0x4e: {  	[tilespmem:s20], [sflag:$0x1] =	stream.indirect_vreg.gather [hbm4b:s2+s3], $0x80, v4, vm0, $0xb8;
	[tilespmem:$0x18100] =	vst v63  }
0x4f: {  	s21 =	simm.s32 $0x6900;
	v3 =	vadd.s32 v1, v3  }
0x50: {  	[tilespmem:s21], [sflag:$0x1] =	stream.indirect_vreg.gather [hbm4b:s7+s3], $0x80, v4, vm0, $0xb8;
	[tilespmem:$0x18100] =	vst v63  }
0x51: {  	s20 =	simm.s32 $0x7100  }
0x52: {  	[tilespmem:s20], [sflag:$0x1] =	stream.indirect_vreg.gather [hbm4b:s8+s3], $0x80, v4, vm0, $0xb8;
	[tilespmem:$0x18100] =	vst v63  }
0x53: {  	s21 =	simm.s32 $0x7900  }
0x54: {  	[tilespmem:s21], [sflag:$0x1] =	stream.indirect_vreg.gather [hbm4b:s2+s3], $0x80, v3, vm0, $0xb8;
	[tilespmem:$0x18100] =	vst v63  }
0x55: {  	s20 =	simm.s32 $0x8100  }
0x56: {  	[tilespmem:s20], [sflag:$0x1] =	stream.indirect_vreg.gather [hbm4b:s7+s3], $0x80, v3, vm0, $0xb8;
	[tilespmem:$0x18100] =	vst v63  }
0x57: {  	s21 =	simm.s32 $0x8900  }
0x58: {  	[tilespmem:s21], [sflag:$0x1] =	stream.indirect_vreg.gather [hbm4b:s8+s3], $0x80, v3, vm0, $0xb8;
	[tilespmem:$0x18100] =	vst v63  }
0x59: {  	v3 =	vld [tilespmem:$0x30];
	_ =	sdelay $0x4  }
0x5a: {  	v61 =	vshrl.u32 v3, $0x3  }
0x5b: {  	v4 =	vmul.u32 $0x30, v61  }
0x5c: {  	v3 =	vand.u32 $0x7, v3  }
0x5d: {  	v3 =	vor.u32 v3, v4  }
0x5e: {  	v4 =	vperm.xlane v3, v0;
	_ =	sdelay $0x1  }
0x5f: {  	v4 =	vadd.s32 v1, v4;
	_ =	sdelay $0x3  }
0x60: {  	s20 =	simm.s32 $0x9100;
	v3 =	vperm.xlane v3, v2  }
0x61: {  	[tilespmem:s20], [sflag:$0x1] =	stream.indirect_vreg.gather [hbm4b:s2+s3], $0x80, v4, vm0, $0xb8;
	[tilespmem:$0x18100] =	vst v63  }
0x62: {  	s21 =	simm.s32 $0x9900;
	v3 =	vadd.s32 v1, v3  }
0x63: {  	[tilespmem:s21], [sflag:$0x1] =	stream.indirect_vreg.gather [hbm4b:s7+s3], $0x80, v4, vm0, $0xb8;
	[tilespmem:$0x18100] =	vst v63  }
0x64: {  	s20 =	simm.s32 $0xA100  }
0x65: {  	[tilespmem:s20], [sflag:$0x1] =	stream.indirect_vreg.gather [hbm4b:s8+s3], $0x80, v4, vm0, $0xb8;
	[tilespmem:$0x18100] =	vst v63  }
0x66: {  	s21 =	simm.s32 $0xA900  }
0x67: {  	[tilespmem:s21], [sflag:$0x1] =	stream.indirect_vreg.gather [hbm4b:s2+s3], $0x80, v3, vm0, $0xb8;
	[tilespmem:$0x18100] =	vst v63  }
0x68: {  	s20 =	simm.s32 $0xB100  }
0x69: {  	[tilespmem:s20], [sflag:$0x1] =	stream.indirect_vreg.gather [hbm4b:s7+s3], $0x80, v3, vm0, $0xb8;
	[tilespmem:$0x18100] =	vst v63  }
0x6a: {  	s21 =	simm.s32 $0xB900  }
0x6b: {  	[tilespmem:s21], [sflag:$0x1] =	stream.indirect_vreg.gather [hbm4b:s8+s3], $0x80, v3, vm0, $0xb8;
	[tilespmem:$0x18100] =	vst v63  }
0x6c: {  	v3 =	vld [tilespmem:$0x40];
	_ =	sdelay $0x4  }
0x6d: {  	v62 =	vshrl.u32 v3, $0x3  }
0x6e: {  	v4 =	vmul.u32 $0x30, v62  }
0x6f: {  	v3 =	vand.u32 $0x7, v3  }
0x70: {  	v3 =	vor.u32 v3, v4  }
0x71: {  	v4 =	vperm.xlane v3, v0;
	_ =	sdelay $0x1  }
0x72: {  	v4 =	vadd.s32 v1, v4;
	_ =	sdelay $0x3  }
0x73: {  	v3 =	vperm.xlane v3, v2  }
0x74: {  	[tilespmem:s13], [sflag:$0x2] =	stream.indirect_vreg.gather [hbm4b:s2+s3], $0x80, v4, vm0, $0xb8;
	[tilespmem:$0x18100] =	vst v63  }
0x75: {  	s20 =	simm.s32 $0xC900;
	v3 =	vadd.s32 v1, v3  }
0x76: {  	[tilespmem:s20], [sflag:$0x2] =	stream.indirect_vreg.gather [hbm4b:s7+s3], $0x80, v4, vm0, $0xb8;
	[tilespmem:$0x18100] =	vst v63  }
0x77: {  	s21 =	simm.s32 $0xD100  }
0x78: {  	[tilespmem:s21], [sflag:$0x2] =	stream.indirect_vreg.gather [hbm4b:s8+s3], $0x80, v4, vm0, $0xb8;
	[tilespmem:$0x18100] =	vst v63  }
0x79: {  	s20 =	simm.s32 $0xD900  }
0x7a: {  	[tilespmem:s20], [sflag:$0x2] =	stream.indirect_vreg.gather [hbm4b:s2+s3], $0x80, v3, vm0, $0xb8;
	[tilespmem:$0x18100] =	vst v63  }
0x7b: {  	s21 =	simm.s32 $0xE100  }
0x7c: {  	[tilespmem:s21], [sflag:$0x2] =	stream.indirect_vreg.gather [hbm4b:s7+s3], $0x80, v3, vm0, $0xb8;
	[tilespmem:$0x18100] =	vst v63  }
0x7d: {  	s20 =	simm.s32 $0xE900  }
0x7e: {  	[tilespmem:s20], [sflag:$0x2] =	stream.indirect_vreg.gather [hbm4b:s8+s3], $0x80, v3, vm0, $0xb8;
	[tilespmem:$0x18100] =	vst v63  }
0x7f: {  	v3 =	vld [tilespmem:$0x50];
	_ =	sdelay $0x4  }
0x80: {  	v63 =	vshrl.u32 v3, $0x3  }
0x81: {  	v4 =	vmul.u32 $0x30, v63  }
0x82: {  	v3 =	vand.u32 $0x7, v3  }
0x83: {  	v3 =	vor.u32 v3, v4  }
0x84: {  	v4 =	vperm.xlane v3, v0;
	_ =	sdelay $0x1  }
0x85: {  	v4 =	vadd.s32 v1, v4;
	_ =	sdelay $0x3  }
0x86: {  	s21 =	simm.s32 $0xF100;
	v3 =	vperm.xlane v3, v2  }
0x87: {  	[tilespmem:s21], [sflag:$0x2] =	stream.indirect_vreg.gather [hbm4b:s2+s3], $0x80, v4, vm0, $0xb8;
	[tilespmem:$0x18100] =	vst v63  }
0x88: {  	s20 =	simm.s32 $0xF900;
	v3 =	vadd.s32 v1, v3  }
0x89: {  	[tilespmem:s20], [sflag:$0x2] =	stream.indirect_vreg.gather [hbm4b:s7+s3], $0x80, v4, vm0, $0xb8;
	[tilespmem:$0x18100] =	vst v63  }
0x8a: {  	s21 =	simm.s32 $0x10100  }
0x8b: {  	[tilespmem:s21], [sflag:$0x2] =	stream.indirect_vreg.gather [hbm4b:s8+s3], $0x80, v4, vm0, $0xb8;
	[tilespmem:$0x18100] =	vst v63  }
0x8c: {  	_ = 	snop  }
0x8d: {  	[tilespmem:s22], [sflag:$0x2] =	stream.indirect_vreg.gather [hbm4b:s2+s3], $0x80, v3, vm0, $0xb8;
	[tilespmem:$0x18100] =	vst v63  }
0x8e: {  	p0 =	por $0x1, $0x1  }
0x8f: {  	[tilespmem:s23], [sflag:$0x2] =	stream.indirect_vreg.gather [hbm4b:s7+s3], $0x80, v3, vm0, $0xb8;
	[tilespmem:$0x18100] =	vst v63  }
0x90: {  	s19 =	simm.s32 $0x0;
	s20 =	simm.s32 $0x70;
	s21 =	simm.s32 $0x60  }
0x91: {  	[tilespmem:s24], [sflag:$0x2] =	stream.indirect_vreg.gather [hbm4b:s8+s3], $0x80, v3, vm0, $0xb8;
	[tilespmem:$0x18100] =	vst v63  }
.LBB2_2:
0x92: {  	v3 =	vld [tilespmem:s21+$0x0];
	_ =	sdelay $0x4  }
0x93: {  	v4 =	vshrl.u32 v3, $0x3  }
0x94: {  	v4 =	vmul.u32 $0x30, v4  }
0x95: {  	v3 =	vand.u32 $0x7, v3  }
0x96: {  	v3 =	vor.u32 v3, v4  }
0x97: {  	v4 =	vperm.xlane v3, v0;
	_ =	sdelay $0x1  }
0x98: {  	v4 =	vadd.s32 v1, v4;
	_ =	sdelay $0x3  }
0x99: {  	v3 =	vperm.xlane v3, v2  }
0x9a: {  	[tilespmem:s25], [sflag:$0x2] =	stream.indirect_vreg.gather [hbm4b:s2+s3], $0x80, v4, vm0, $0xb8;
	[tilespmem:$0x18100] =	vst v63  }
0x9b: {  	v3 =	vadd.s32 v1, v3  }
0x9c: {  	[tilespmem:s26], [sflag:$0x2] =	stream.indirect_vreg.gather [hbm4b:s7+s3], $0x80, v4, vm0, $0xb8;
	[tilespmem:$0x18100] =	vst v63  }
0x9d: {  	_ = 	snop  }
0x9e: {  	[tilespmem:s28], [sflag:$0x2] =	stream.indirect_vreg.gather [hbm4b:s8+s3], $0x80, v4, vm0, $0xb8;
	[tilespmem:$0x18100] =	vst v63  }
0x9f: {  	_ = 	snop  }
0xa0: {  	[tilespmem:s29], [sflag:$0x2] =	stream.indirect_vreg.gather [hbm4b:s2+s3], $0x80, v3, vm0, $0xb8;
	[tilespmem:$0x18100] =	vst v63  }
0xa1: {  	_ = 	snop  }
0xa2: {  	[tilespmem:s30], [sflag:$0x2] =	stream.indirect_vreg.gather [hbm4b:s7+s3], $0x80, v3, vm0, $0xb8;
	[tilespmem:$0x18100] =	vst v63  }
0xa3: {  	_ = 	snop  }
0xa4: {  	[tilespmem:s31], [sflag:$0x2] =	stream.indirect_vreg.gather [hbm4b:s8+s3], $0x80, v3, vm0, $0xb8;
	[tilespmem:$0x18100] =	vst v63  }
0xa5: {  	v3 =	vld [tilespmem:s20+$0x0];
	_ =	sdelay $0x4  }
0xa6: {  	v63 =	vshrl.u32 v3, $0x3  }
0xa7: {  	v4 =	vmul.u32 $0x30, v63  }
0xa8: {  	v3 =	vand.u32 $0x7, v3  }
0xa9: {  	v3 =	vor.u32 v3, v4  }
0xaa: {  	v4 =	vperm.xlane v3, v0;
	_ =	sdelay $0x1  }
0xab: {  	v4 =	vadd.s32 v1, v4;
	_ =	sdelay $0x3  }
0xac: {  	v3 =	vperm.xlane v3, v2  }
0xad: {  	[tilespmem:s0], [sflag:$0x2] =	stream.indirect_vreg.gather [hbm4b:s2+s3], $0x80, v4, vm0, $0xb8;
	[tilespmem:$0x18100] =	vst v63  }
0xae: {  	v3 =	vadd.s32 v1, v3  }
0xaf: {  	[tilespmem:s1], [sflag:$0x2] =	stream.indirect_vreg.gather [hbm4b:s7+s3], $0x80, v4, vm0, $0xb8;
	[tilespmem:$0x18100] =	vst v63  }
0xb0: {  	_ = 	snop  }
0xb1: {  	[tilespmem:s6], [sflag:$0x2] =	stream.indirect_vreg.gather [hbm4b:s8+s3], $0x80, v4, vm0, $0xb8;
	[tilespmem:$0x18100] =	vst v63  }
0xb2: {  	_ = 	snop  }
0xb3: {  	[tilespmem:s9], [sflag:$0x2] =	stream.indirect_vreg.gather [hbm4b:s2+s3], $0x80, v3, vm0, $0xb8;
	[tilespmem:$0x18100] =	vst v63  }
0xb4: {  	s19 =	sor.u32 s4, s19  }
0xb5: {  	[tilespmem:s11], [sflag:$0x2] =	stream.indirect_vreg.gather [hbm4b:s7+s3], $0x80, v3, vm0, $0xb8;
	[tilespmem:$0x18100] =	vst v63  }
0xb6: {  	s19 =	sshrl.u32 s19, $0x3  }
0xb7: {  	[tilespmem:s14], [sflag:$0x2] =	stream.indirect_vreg.gather [hbm4b:s8+s3], $0x80, v3, vm0, $0xb8;
	[tilespmem:$0x18100] =	vst v63  }
0xb8: {  	s19 =	smul.u32 $0x300, s19;
	_ =	swait.ge [sflag:s15], $0xC000  }
0xb9: {  	[sflag:s15] =	ssyncset.done $0x0  }
0xba: {  	s21 =	sadd.s32 s5, s19;
	[sflag:s15] =	ssyncadd.s32 $0xFFFF4000  }
0xbb: {  	[hbm4b:s21+s3] =	stream.linear.scatter [tilespmem:s12], [sflag:$0x3], $0xC000, $0x38;
	[tilespmem:$0x18100] =	vst v63  }
0xbc: {  	_ =	swait.ge [sflag:s16], $0xC000  }
0xbd: {  	[sflag:s16] =	ssyncset.done $0x0  }
.Ltmp2:
0xbe: {  	s19 =	sadd.s32 s10, s19;
	[sflag:s16] =	ssyncadd.s32 $0xFFFF4000;
	(pc) =	sbr.rel @!p0 .LBB2_4-.Ltmp2, $4  }
0xbf: {  	[hbm4b:s19+s3] =	stream.linear.scatter [tilespmem:s13], [sflag:$0x4], $0xC000, $0x38;
	[tilespmem:$0x18100] =	vst v63  }
0xc0: {  	_ =	swait.ge [sflag:s17], $0xC000  }
0xc1: {  	[sflag:s17] =	ssyncset.done $0x0  }
0xc2: {  	[sflag:s17] =	ssyncadd.s32 $0xFFFF4000  }
0xc3: {  	v3 =	vld [tilespmem:$0x80];
	_ =	sdelay $0x4  }
0xc4: {  	v4 =	vshrl.u32 v3, $0x3  }
0xc5: {  	v4 =	vmul.u32 $0x30, v4  }
0xc6: {  	v3 =	vand.u32 $0x7, v3  }
0xc7: {  	v3 =	vor.u32 v3, v4  }
0xc8: {  	v4 =	vperm.xlane v3, v0;
	_ =	sdelay $0x1  }
0xc9: {  	v4 =	vadd.s32 v1, v4;
	_ =	sdelay $0x3  }
0xca: {  	v3 =	vperm.xlane v3, v2  }
0xcb: {  	[tilespmem:s12], [sflag:$0x1] =	stream.indirect_vreg.gather [hbm4b:s2+s3], $0x80, v4, vm0, $0xb8;
	[tilespmem:$0x18100] =	vst v63  }
0xcc: {  	s19 =	simm.s32 $0x900;
	v3 =	vadd.s32 v1, v3  }
0xcd: {  	[tilespmem:s19], [sflag:$0x1] =	stream.indirect_vreg.gather [hbm4b:s7+s3], $0x80, v4, vm0, $0xb8;
	[tilespmem:$0x18100] =	vst v63  }
0xce: {  	s20 =	simm.s32 $0x1100  }
0xcf: {  	[tilespmem:s20], [sflag:$0x1] =	stream.indirect_vreg.gather [hbm4b:s8+s3], $0x80, v4, vm0, $0xb8;
	[tilespmem:$0x18100] =	vst v63  }
0xd0: {  	s21 =	simm.s32 $0x1900  }
0xd1: {  	[tilespmem:s21], [sflag:$0x1] =	stream.indirect_vreg.gather [hbm4b:s2+s3], $0x80, v3, vm0, $0xb8;
	[tilespmem:$0x18100] =	vst v63  }
0xd2: {  	s20 =	simm.s32 $0x2100  }
0xd3: {  	[tilespmem:s20], [sflag:$0x1] =	stream.indirect_vreg.gather [hbm4b:s7+s3], $0x80, v3, vm0, $0xb8;
	[tilespmem:$0x18100] =	vst v63  }
0xd4: {  	s21 =	simm.s32 $0x2900  }
0xd5: {  	[tilespmem:s21], [sflag:$0x1] =	stream.indirect_vreg.gather [hbm4b:s8+s3], $0x80, v3, vm0, $0xb8;
	[tilespmem:$0x18100] =	vst v63  }
0xd6: {  	v3 =	vld [tilespmem:$0x90];
	_ =	sdelay $0x4  }
0xd7: {  	v59 =	vshrl.u32 v3, $0x3  }
0xd8: {  	v4 =	vmul.u32 $0x30, v59  }
0xd9: {  	v3 =	vand.u32 $0x7, v3  }
0xda: {  	v3 =	vor.u32 v3, v4  }
0xdb: {  	v4 =	vperm.xlane v3, v0;
	_ =	sdelay $0x1  }
0xdc: {  	v4 =	vadd.s32 v1, v4;
	_ =	sdelay $0x3  }
0xdd: {  	s20 =	simm.s32 $0x3100;
	v3 =	vperm.xlane v3, v2  }
0xde: {  	[tilespmem:s20], [sflag:$0x1] =	stream.indirect_vreg.gather [hbm4b:s2+s3], $0x80, v4, vm0, $0xb8;
	[tilespmem:$0x18100] =	vst v63  }
0xdf: {  	s21 =	simm.s32 $0x3900;
	v3 =	vadd.s32 v1, v3  }
0xe0: {  	[tilespmem:s21], [sflag:$0x1] =	stream.indirect_vreg.gather [hbm4b:s7+s3], $0x80, v4, vm0, $0xb8;
	[tilespmem:$0x18100] =	vst v63  }
0xe1: {  	s20 =	simm.s32 $0x4100  }
0xe2: {  	[tilespmem:s20], [sflag:$0x1] =	stream.indirect_vreg.gather [hbm4b:s8+s3], $0x80, v4, vm0, $0xb8;
	[tilespmem:$0x18100] =	vst v63  }
0xe3: {  	s21 =	simm.s32 $0x4900  }
0xe4: {  	[tilespmem:s21], [sflag:$0x1] =	stream.indirect_vreg.gather [hbm4b:s2+s3], $0x80, v3, vm0, $0xb8;
	[tilespmem:$0x18100] =	vst v63  }
0xe5: {  	s20 =	simm.s32 $0x5100  }
0xe6: {  	[tilespmem:s20], [sflag:$0x1] =	stream.indirect_vreg.gather [hbm4b:s7+s3], $0x80, v3, vm0, $0xb8;
	[tilespmem:$0x18100] =	vst v63  }
0xe7: {  	s21 =	simm.s32 $0x5900  }
0xe8: {  	[tilespmem:s21], [sflag:$0x1] =	stream.indirect_vreg.gather [hbm4b:s8+s3], $0x80, v3, vm0, $0xb8;
	[tilespmem:$0x18100] =	vst v63  }
0xe9: {  	v3 =	vld [tilespmem:$0xA0];
	_ =	sdelay $0x4  }
0xea: {  	v60 =	vshrl.u32 v3, $0x3  }
0xeb: {  	v4 =	vmul.u32 $0x30, v60  }
0xec: {  	v3 =	vand.u32 $0x7, v3  }
0xed: {  	v3 =	vor.u32 v3, v4  }
0xee: {  	v4 =	vperm.xlane v3, v0;
	_ =	sdelay $0x1  }
0xef: {  	v4 =	vadd.s32 v1, v4;
	_ =	sdelay $0x3  }
0xf0: {  	s20 =	simm.s32 $0x6100;
	v3 =	vperm.xlane v3, v2  }
0xf1: {  	[tilespmem:s20], [sflag:$0x1] =	stream.indirect_vreg.gather [hbm4b:s2+s3], $0x80, v4, vm0, $0xb8;
	[tilespmem:$0x18100] =	vst v63  }
0xf2: {  	s21 =	simm.s32 $0x6900;
	v3 =	vadd.s32 v1, v3  }
0xf3: {  	[tilespmem:s21], [sflag:$0x1] =	stream.indirect_vreg.gather [hbm4b:s7+s3], $0x80, v4, vm0, $0xb8;
	[tilespmem:$0x18100] =	vst v63  }
0xf4: {  	s20 =	simm.s32 $0x7100  }
0xf5: {  	[tilespmem:s20], [sflag:$0x1] =	stream.indirect_vreg.gather [hbm4b:s8+s3], $0x80, v4, vm0, $0xb8;
	[tilespmem:$0x18100] =	vst v63  }
0xf6: {  	s21 =	simm.s32 $0x7900  }
0xf7: {  	[tilespmem:s21], [sflag:$0x1] =	stream.indirect_vreg.gather [hbm4b:s2+s3], $0x80, v3, vm0, $0xb8;
	[tilespmem:$0x18100] =	vst v63  }
0xf8: {  	s20 =	simm.s32 $0x8100  }
0xf9: {  	[tilespmem:s20], [sflag:$0x1] =	stream.indirect_vreg.gather [hbm4b:s7+s3], $0x80, v3, vm0, $0xb8;
	[tilespmem:$0x18100] =	vst v63  }
0xfa: {  	s21 =	simm.s32 $0x8900  }
0xfb: {  	[tilespmem:s21], [sflag:$0x1] =	stream.indirect_vreg.gather [hbm4b:s8+s3], $0x80, v3, vm0, $0xb8;
	[tilespmem:$0x18100] =	vst v63  }
0xfc: {  	v3 =	vld [tilespmem:$0xB0];
	_ =	sdelay $0x4  }
0xfd: {  	v61 =	vshrl.u32 v3, $0x3  }
0xfe: {  	v4 =	vmul.u32 $0x30, v61  }
0xff: {  	v3 =	vand.u32 $0x7, v3  }
0x100: {  	v3 =	vor.u32 v3, v4  }
0x101: {  	v4 =	vperm.xlane v3, v0;
	_ =	sdelay $0x1  }
0x102: {  	v4 =	vadd.s32 v1, v4;
	_ =	sdelay $0x3  }
0x103: {  	s20 =	simm.s32 $0x9100;
	v3 =	vperm.xlane v3, v2  }
0x104: {  	[tilespmem:s20], [sflag:$0x1] =	stream.indirect_vreg.gather [hbm4b:s2+s3], $0x80, v4, vm0, $0xb8;
	[tilespmem:$0x18100] =	vst v63  }
0x105: {  	s21 =	simm.s32 $0x9900;
	v3 =	vadd.s32 v1, v3  }
0x106: {  	[tilespmem:s21], [sflag:$0x1] =	stream.indirect_vreg.gather [hbm4b:s7+s3], $0x80, v4, vm0, $0xb8;
	[tilespmem:$0x18100] =	vst v63  }
0x107: {  	s20 =	simm.s32 $0xA100  }
0x108: {  	[tilespmem:s20], [sflag:$0x1] =	stream.indirect_vreg.gather [hbm4b:s8+s3], $0x80, v4, vm0, $0xb8;
	[tilespmem:$0x18100] =	vst v63  }
0x109: {  	s21 =	simm.s32 $0xA900  }
0x10a: {  	[tilespmem:s21], [sflag:$0x1] =	stream.indirect_vreg.gather [hbm4b:s2+s3], $0x80, v3, vm0, $0xb8;
	[tilespmem:$0x18100] =	vst v63  }
0x10b: {  	s20 =	simm.s32 $0xB100  }
0x10c: {  	[tilespmem:s20], [sflag:$0x1] =	stream.indirect_vreg.gather [hbm4b:s7+s3], $0x80, v3, vm0, $0xb8;
	[tilespmem:$0x18100] =	vst v63  }
0x10d: {  	s21 =	simm.s32 $0xB900  }
0x10e: {  	[tilespmem:s21], [sflag:$0x1] =	stream.indirect_vreg.gather [hbm4b:s8+s3], $0x80, v3, vm0, $0xb8;
	[tilespmem:$0x18100] =	vst v63  }
0x10f: {  	_ =	swait.ge [sflag:s18], $0xC000  }
0x110: {  	[sflag:s18] =	ssyncset.done $0x0  }
0x111: {  	[sflag:s18] =	ssyncadd.s32 $0xFFFF4000  }
0x112: {  	v3 =	vld [tilespmem:$0xC0];
	_ =	sdelay $0x4  }
0x113: {  	v62 =	vshrl.u32 v3, $0x3  }
0x114: {  	v4 =	vmul.u32 $0x30, v62  }
0x115: {  	v3 =	vand.u32 $0x7, v3  }
0x116: {  	v3 =	vor.u32 v3, v4  }
0x117: {  	v4 =	vperm.xlane v3, v0;
	_ =	sdelay $0x1  }
0x118: {  	v4 =	vadd.s32 v1, v4;
	_ =	sdelay $0x3  }
0x119: {  	v3 =	vperm.xlane v3, v2  }
0x11a: {  	[tilespmem:s13], [sflag:$0x2] =	stream.indirect_vreg.gather [hbm4b:s2+s3], $0x80, v4, vm0, $0xb8;
	[tilespmem:$0x18100] =	vst v63  }
0x11b: {  	s20 =	simm.s32 $0xC900;
	v3 =	vadd.s32 v1, v3  }
0x11c: {  	[tilespmem:s20], [sflag:$0x2] =	stream.indirect_vreg.gather [hbm4b:s7+s3], $0x80, v4, vm0, $0xb8;
	[tilespmem:$0x18100] =	vst v63  }
0x11d: {  	s21 =	simm.s32 $0xD100  }
0x11e: {  	[tilespmem:s21], [sflag:$0x2] =	stream.indirect_vreg.gather [hbm4b:s8+s3], $0x80, v4, vm0, $0xb8;
	[tilespmem:$0x18100] =	vst v63  }
0x11f: {  	s20 =	simm.s32 $0xD900  }
0x120: {  	[tilespmem:s20], [sflag:$0x2] =	stream.indirect_vreg.gather [hbm4b:s2+s3], $0x80, v3, vm0, $0xb8;
	[tilespmem:$0x18100] =	vst v63  }
0x121: {  	s21 =	simm.s32 $0xE100  }
0x122: {  	[tilespmem:s21], [sflag:$0x2] =	stream.indirect_vreg.gather [hbm4b:s7+s3], $0x80, v3, vm0, $0xb8;
	[tilespmem:$0x18100] =	vst v63  }
0x123: {  	s20 =	simm.s32 $0xE900  }
0x124: {  	[tilespmem:s20], [sflag:$0x2] =	stream.indirect_vreg.gather [hbm4b:s8+s3], $0x80, v3, vm0, $0xb8;
	[tilespmem:$0x18100] =	vst v63  }
0x125: {  	v3 =	vld [tilespmem:$0xD0];
	_ =	sdelay $0x4  }
0x126: {  	v63 =	vshrl.u32 v3, $0x3  }
0x127: {  	v4 =	vmul.u32 $0x30, v63  }
0x128: {  	v3 =	vand.u32 $0x7, v3  }
0x129: {  	v3 =	vor.u32 v3, v4  }
0x12a: {  	v4 =	vperm.xlane v3, v0;
	_ =	sdelay $0x1  }
0x12b: {  	v4 =	vadd.s32 v1, v4;
	_ =	sdelay $0x3  }
0x12c: {  	s21 =	simm.s32 $0xF100;
	v3 =	vperm.xlane v3, v2  }
0x12d: {  	[tilespmem:s21], [sflag:$0x2] =	stream.indirect_vreg.gather [hbm4b:s2+s3], $0x80, v4, vm0, $0xb8;
	[tilespmem:$0x18100] =	vst v63  }
0x12e: {  	s20 =	simm.s32 $0xF900;
	v3 =	vadd.s32 v1, v3  }
0x12f: {  	[tilespmem:s20], [sflag:$0x2] =	stream.indirect_vreg.gather [hbm4b:s7+s3], $0x80, v4, vm0, $0xb8;
	[tilespmem:$0x18100] =	vst v63  }
0x130: {  	s21 =	simm.s32 $0x10100  }
0x131: {  	[tilespmem:s21], [sflag:$0x2] =	stream.indirect_vreg.gather [hbm4b:s8+s3], $0x80, v4, vm0, $0xb8;
	[tilespmem:$0x18100] =	vst v63  }
0x132: {  	_ = 	snop  }
0x133: {  	[tilespmem:s22], [sflag:$0x2] =	stream.indirect_vreg.gather [hbm4b:s2+s3], $0x80, v3, vm0, $0xb8;
	[tilespmem:$0x18100] =	vst v63  }
.Ltmp3:
0x134: {  	_ = 	snop;
	(pc) =	sbr.rel .LBB2_2-.Ltmp3, $4  }
0x135: {  	p0 =	por $0x0, $0x0  }
0x136: {  	[tilespmem:s23], [sflag:$0x2] =	stream.indirect_vreg.gather [hbm4b:s7+s3], $0x80, v3, vm0, $0xb8;
	[tilespmem:$0x18100] =	vst v63  }
0x137: {  	s19 =	simm.s32 $0x80;
	s20 =	simm.s32 $0xF0;
	s21 =	simm.s32 $0xE0  }
0x138: {  	[tilespmem:s24], [sflag:$0x2] =	stream.indirect_vreg.gather [hbm4b:s8+s3], $0x80, v3, vm0, $0xb8;
	[tilespmem:$0x18100] =	vst v63  }
.LBB2_5:
0x139: {  	_ =	sfence.sel $0x180000  }
0x13a: {  	[bflag:$0x0] =	sbarrier.arrive $0xFFFF  }
0x13b: {  	_ =	strace $0x9000004A  }
0x13c: {  	s0 =	stileid.u32;
	[bflag:$0x2] =	sbarrier.arrive $0xFFFF  }
0x13d: {  	p0 =	sne.s32 s0, $0x0;
	s0 =	rddreg [dreg:$0x2]  }
0x13e: {  	s0 =	sadd.s32 @!p0 $0x100000, s0  }
0x13f: {  	[sflag:s0] =	ssyncadd.tile.s32 @!p0 $0x1;
	_ =	shalt  }
.Lfunc_end2:
_tile_overlayer_lowered:
.L_overlay_start_2:
0x140: {  	(tag) =	ssettag $0x2  }
0x141: {  	s0 =	rddreg [dreg:$0x0];
	s2 =	stileid.u32  }
0x142: {  	s1 =	rddreg [dreg:$0x1];
	p0 =	sne.s32 s2, $0x0  }
0x143: {  	s3 =	rddreg [dreg:$0x2];
	[bflag:$0x3] =	sbarrier.arrive $0xFFFF;
	s2 =	simm.s32 @!p0 $0x1C05  }
0x144: {  	[timem:s3], [sflag:s2] =	dma.local @!p0 [hbm:s0], s1  }
0x145: {  	s0 =	simm.s32 @!p0 $0x5  }
0x146: {  	_ =	swait.ge @!p0 [sflag:s0], s1  }
0x147: {  	s1 =	ssub.s32 @!p0 $0x0, s1;
	[sflag:s0] =	ssyncset.done @!p0 $0x0  }
0x148: {  	[sflag:s0] =	ssyncadd.s32 @!p0 s1  }
0x149: {  	[bflag:$0x3] =	sbarrier.arrive $0xFFFF  }
0x14a: {  	_ =	shalt  }

</sc_bundles>
